<compile_context>
chip_gen: v7x
topology: tpu7x:2x2x1
jax: 0.10.2.dev20260603
libtpu: 0.0.44.dev20260713+nightly
codegen_flags: <defaults>
</compile_context>

<pallas_src>
import functools

import jax
import jax.numpy as jnp
from jax import lax
from jax.experimental import pallas as pl
from jax.experimental.pallas import tpu as pltpu
from jax.experimental.pallas import tpu_sc as plsc

VOCAB = 1000000
DIM = 64
BATCH = 16384
HIST = 200
M = BATCH * HIST
IW = 128
MR = M // IW
NC, NS = 2, 16
NW = NC * NS
R = 4
SB = R * IW
NSB = M // (SB * NW)
NBUF = 3
ROWS_W = MR // NW
NMAIN = (NSB - 5) // NBUF

_mesh = plsc.VectorSubcoreMesh(core_axis_name="c", subcore_axis_name="s")


@functools.partial(
    pl.kernel,
    mesh=_mesh,
    compiler_params=pltpu.CompilerParams(use_tc_tiling_on_sc=False),
    out_type=jax.ShapeDtypeStruct((M, DIM), jnp.float32),
    scratch_types=[
        pltpu.VMEM((NBUF, R, IW), jnp.int32),
        pltpu.VMEM((NBUF, SB, DIM), jnp.float32),
        pltpu.SemaphoreType.DMA,
        pltpu.SemaphoreType.DMA,
        pltpu.SemaphoreType.DMA,
        pltpu.SemaphoreType.DMA,
        pltpu.SemaphoreType.DMA,
        pltpu.SemaphoreType.DMA,
    ],
)
def _emb_gather(x_hbm, table_hbm, out_hbm, idx_v, rows_v, g0, g1, g2, w0, w1, w2):
    wid = lax.axis_index("s") * NC + lax.axis_index("c")
    row0 = wid * ROWS_W
    gsem = (g0, g1, g2)
    wsem = (w0, w1, w2)

    def stage_idx(sb, b):
        pltpu.sync_copy(x_hbm.at[pl.ds(row0 + sb * R, R)], idx_v.at[b])

    def fire_gathers(b):
        for j in range(R):
            pltpu.async_copy(
                table_hbm.at[idx_v.at[b, j]],
                rows_v.at[b, pl.ds(j * IW, IW)],
                gsem[b],
            )

    def drain_gathers(b):
        pltpu.make_async_copy(
            table_hbm.at[pl.ds(0, SB)], rows_v.at[b], gsem[b]
        ).wait()

    for b in range(NBUF):
        stage_idx(b, b)
        fire_gathers(b)

    def body(g, carry):
        for b in range(NBUF):
            sb0 = g * NBUF + b
            drain_gathers(b)
            out_pos = (row0 + sb0 * R) * IW
            wb = pltpu.async_copy(
                rows_v.at[b], out_hbm.at[pl.ds(out_pos, SB)], wsem[b]
            )
            stage_idx(sb0 + NBUF, b)
            wb.wait()
            fire_gathers(b)
        return carry

    lax.fori_loop(0, NMAIN, body, 0)

    for b in range(NBUF):
        sb = NMAIN * NBUF + b
        drain_gathers(b)
        out_pos = (row0 + sb * R) * IW
        pltpu.sync_copy(rows_v.at[b], out_hbm.at[pl.ds(out_pos, SB)])
    for b in range(NSB - NMAIN * NBUF - NBUF):
        sb = NMAIN * NBUF + NBUF + b
        stage_idx(sb, b)
        fire_gathers(b)
        drain_gathers(b)
        out_pos = (row0 + sb * R) * IW
        pltpu.sync_copy(rows_v.at[b], out_hbm.at[pl.ds(out_pos, SB)])


def kernel(x, table):
    xf = x.astype(jnp.int32).reshape(MR, IW)
    out = _emb_gather(xf, table)
    return out.reshape(BATCH, HIST, DIM)

# --- scband reference (transcript-rebuilt; emitter-appended) ---
"""Pipeline reference for scband-input-embedding-88210038325320 (READ-ONLY COPY).

The authoritative reference and input builder live on the scoring server;
editing this copy changes nothing except your own understanding.
"""

import jax, jax.numpy as jnp
import numpy as np

VOCAB = 1000000
DIM = 64
BATCH = 16384
HIST = 200

def setup_inputs(seed: int = 0) -> dict:
    key = jax.random.key(seed)
    k1, k2 = jax.random.split(key)
    x = jax.random.randint(k1, (BATCH, HIST), 0, VOCAB, dtype=jnp.int64 if jax.config.jax_enable_x64 else jnp.int32)
    table = jax.random.normal(k2, (VOCAB, DIM), dtype=jnp.float32) * 0.02
    return {"x": x, "table": table}

def reference(x, table):
    # InputEmbedding.forward: tokenizer step is identity here (indices precomputed);
    # embedding lookup == row gather from the table.
    return jnp.take(table, x, axis=0)

if __name__ == "__main__":
    import jax
    _d = setup_inputs()
    print(jax.jit(kernel)(*tuple(_d.values())))

</pallas_src>

<mosaic_0001>
#map = affine_map<(d0, d1) -> (0, 0)>
module attributes {stable_mosaic.version = 14 : i64} {
  func.func @_emb_gather(%arg0: i32, %arg1: i32, %arg2: memref<25600x128xi32, #tpu.memory_space<hbm>>, %arg3: memref<1000000x64xf32, #tpu.memory_space<hbm>>, %arg4: memref<3276800x64xf32, #tpu.memory_space<hbm>>, %arg5: memref<3x4x128xi32, #tpu.memory_space<vmem>>, %arg6: memref<3x512x64xf32, #tpu.memory_space<vmem>>, %arg7: memref<!tpu.dma_semaphore, #tpu.memory_space<semaphore_mem>>, %arg8: memref<!tpu.dma_semaphore, #tpu.memory_space<semaphore_mem>>, %arg9: memref<!tpu.dma_semaphore, #tpu.memory_space<semaphore_mem>>, %arg10: memref<!tpu.dma_semaphore, #tpu.memory_space<semaphore_mem>>, %arg11: memref<!tpu.dma_semaphore, #tpu.memory_space<semaphore_mem>>, %arg12: memref<!tpu.dma_semaphore, #tpu.memory_space<semaphore_mem>>) attributes {dimension_semantics = [#tpu.dimension_semantics<core_parallel>, #tpu.dimension_semantics<subcore_parallel>], iteration_bounds = array<i64: 2, 16>, scalar_prefetch = 0 : i64, scratch_operands = 8 : i64, tpu.core_type = #tpu.core_type<sc_vector_subcore>, window_params = [{transform_indices = #map}, {transform_indices = #map}, {transform_indices = #map}]} {
    %mul3A = arith.constant 2 : i32
    %mul3A_0 = arith.muli %arg1, %mul3A : i32
    %add3A = arith.addi %mul3A_0, %arg0 : i32
    %mul3A_1 = arith.constant 800 : i32
    %mul3A_2 = arith.muli %add3A, %mul3A_1 : i32
    %add3A_3 = arith.constant 0 : i32
    %add3A_4 = arith.addi %mul3A_2, %add3A_3 : i32
    %run_scoped3A = arith.constant 0 : i32
    "tpu.region"() ({
      %run_scoped3A_380 = tpu.sem_alloc : memref<!tpu.dma_semaphore, #tpu.memory_space<semaphore_mem>>
      %dma_start3A_381 = arith.constant 0 : i32
      %dma_start3A_382 = arith.constant 0 : i32
      %dma_start3A_383 = tpu.memref_slice %arg5[%run_scoped3A, %dma_start3A_381, %dma_start3A_382] : memref<3x4x128xi32, #tpu.memory_space<vmem>> -> memref<1x4x128xi32, #tpu.memory_space<vmem>>
      %dma_start3A_384 = tpu.memref_squeeze %dma_start3A_383 : memref<1x4x128xi32, #tpu.memory_space<vmem>> -> memref<4x128xi32, #tpu.memory_space<vmem>>
      %dma_start3A_385 = arith.constant 0 : i32
      %dma_start3A_386 = tpu.memref_slice %arg2[%add3A_4, %dma_start3A_385] : memref<25600x128xi32, #tpu.memory_space<hbm>> -> memref<4x128xi32, #tpu.memory_space<hbm>>
      %dma_start3A_387 = arith.constant 0 : i32
      %dma_start3A_388 = arith.constant 0 : i32
      %dma_start3A_389 = tpu.memref_slice %arg5[%run_scoped3A, %dma_start3A_387, %dma_start3A_388] : memref<3x4x128xi32, #tpu.memory_space<vmem>> -> memref<1x4x128xi32, #tpu.memory_space<vmem>>
      %dma_start3A_390 = tpu.memref_squeeze %dma_start3A_389 : memref<1x4x128xi32, #tpu.memory_space<vmem>> -> memref<4x128xi32, #tpu.memory_space<vmem>>
      %dma_start3A_391 = arith.constant 0 : i32
      %dma_start3A_392 = tpu.memref_slice %arg2[%add3A_4, %dma_start3A_391] : memref<25600x128xi32, #tpu.memory_space<hbm>> -> memref<4x128xi32, #tpu.memory_space<hbm>>
      tpu.enqueue_dma source(%dma_start3A_392 : memref<4x128xi32, #tpu.memory_space<hbm>>) target(%dma_start3A_390 : memref<4x128xi32, #tpu.memory_space<vmem>>) target_semaphore(%run_scoped3A_380 : memref<!tpu.dma_semaphore, #tpu.memory_space<semaphore_mem>>)
      %dma_wait3A_393 = arith.constant 0 : i32
      %dma_wait3A_394 = arith.constant 0 : i32
      %dma_wait3A_395 = tpu.memref_slice %arg5[%run_scoped3A, %dma_wait3A_393, %dma_wait3A_394] : memref<3x4x128xi32, #tpu.memory_space<vmem>> -> memref<1x4x128xi32, #tpu.memory_space<vmem>>
      %dma_wait3A_396 = tpu.memref_squeeze %dma_wait3A_395 : memref<1x4x128xi32, #tpu.memory_space<vmem>> -> memref<4x128xi32, #tpu.memory_space<vmem>>
      %dma_wait3A_397 = arith.constant 0 : i32
      %dma_wait3A_398 = tpu.memref_slice %arg2[%add3A_4, %dma_wait3A_397] : memref<25600x128xi32, #tpu.memory_space<hbm>> -> memref<4x128xi32, #tpu.memory_space<hbm>>
      %dma_wait3A_399 = arith.constant 0 : i32
      %dma_wait3A_400 = arith.constant 0 : i32
      %dma_wait3A_401 = tpu.memref_slice %arg5[%run_scoped3A, %dma_wait3A_399, %dma_wait3A_400] : memref<3x4x128xi32, #tpu.memory_space<vmem>> -> memref<1x4x128xi32, #tpu.memory_space<vmem>>
      %dma_wait3A_402 = tpu.memref_squeeze %dma_wait3A_401 : memref<1x4x128xi32, #tpu.memory_space<vmem>> -> memref<4x128xi32, #tpu.memory_space<vmem>>
      %dma_wait3A_403 = arith.constant 0 : i32
      %dma_wait3A_404 = tpu.memref_slice %arg2[%add3A_4, %dma_wait3A_403] : memref<25600x128xi32, #tpu.memory_space<hbm>> -> memref<4x128xi32, #tpu.memory_space<hbm>>
      tpu.wait_dma2 semaphore(%run_scoped3A_380 : memref<!tpu.dma_semaphore, #tpu.memory_space<semaphore_mem>>) src(%dma_wait3A_404 : memref<4x128xi32, #tpu.memory_space<hbm>>) dst(%dma_wait3A_402 : memref<4x128xi32, #tpu.memory_space<vmem>>)
      tpu.yield
    }) : () -> ()
    %dma_start3A = arith.constant 0 : i32
    %dma_start3A_5 = arith.constant 0 : i32
    %dma_start3A_6 = arith.constant 0 : i32
    %dma_start3A_7 = arith.constant 0 : i32
    %dma_start3A_8 = arith.constant 0 : i32
    %dma_start3A_9 = tpu.memref_slice %arg6[%dma_start3A_6, %dma_start3A_7, %dma_start3A_8] : memref<3x512x64xf32, #tpu.memory_space<vmem>> -> memref<1x128x64xf32, #tpu.memory_space<vmem>>
    %dma_start3A_10 = tpu.memref_squeeze %dma_start3A_9 : memref<1x128x64xf32, #tpu.memory_space<vmem>> -> memref<128x64xf32, #tpu.memory_space<vmem>>
    %dma_start3A_11 = arith.constant 0 : i32
    %dma_start3A_12 = tpu.memref_slice %arg5[%dma_start3A, %dma_start3A_5, %dma_start3A_11] : memref<3x4x128xi32, #tpu.memory_space<vmem>> -> memref<1x1x128xi32, #tpu.memory_space<vmem>>
    %dma_start3A_13 = tpu.memref_squeeze %dma_start3A_12 : memref<1x1x128xi32, #tpu.memory_space<vmem>> -> memref<128xi32, #tpu.memory_space<vmem>>
    %dma_start3A_14 = arith.constant 0 : i32
    %dma_start3A_15 = arith.constant 0 : i32
    %dma_start3A_16 = tpu.memref_slice %arg3[%dma_start3A_14, %dma_start3A_15] : memref<1000000x64xf32, #tpu.memory_space<hbm>> -> memref<1000000x64xf32, #tpu.memory_space<hbm>>
    tpu.enqueue_indirect_dma source(%dma_start3A_16 : memref<1000000x64xf32, #tpu.memory_space<hbm>>) target(%dma_start3A_10 : memref<128x64xf32, #tpu.memory_space<vmem>>) offsets(%dma_start3A_13 : memref<128xi32, #tpu.memory_space<vmem>>) semaphore(%arg7 : memref<!tpu.dma_semaphore, #tpu.memory_space<semaphore_mem>>)
    %dma_start3A_17 = arith.constant 0 : i32
    %dma_start3A_18 = arith.constant 1 : i32
    %dma_start3A_19 = arith.constant 0 : i32
    %dma_start3A_20 = arith.constant 128 : i32
    %dma_start3A_21 = arith.constant 0 : i32
    %dma_start3A_22 = tpu.memref_slice %arg6[%dma_start3A_19, %dma_start3A_20, %dma_start3A_21] : memref<3x512x64xf32, #tpu.memory_space<vmem>> -> memref<1x128x64xf32, #tpu.memory_space<vmem>>
    %dma_start3A_23 = tpu.memref_squeeze %dma_start3A_22 : memref<1x128x64xf32, #tpu.memory_space<vmem>> -> memref<128x64xf32, #tpu.memory_space<vmem>>
    %dma_start3A_24 = arith.constant 0 : i32
    %dma_start3A_25 = tpu.memref_slice %arg5[%dma_start3A_17, %dma_start3A_18, %dma_start3A_24] : memref<3x4x128xi32, #tpu.memory_space<vmem>> -> memref<1x1x128xi32, #tpu.memory_space<vmem>>
    %dma_start3A_26 = tpu.memref_squeeze %dma_start3A_25 : memref<1x1x128xi32, #tpu.memory_space<vmem>> -> memref<128xi32, #tpu.memory_space<vmem>>
    %dma_start3A_27 = arith.constant 0 : i32
    %dma_start3A_28 = arith.constant 0 : i32
    %dma_start3A_29 = tpu.memref_slice %arg3[%dma_start3A_27, %dma_start3A_28] : memref<1000000x64xf32, #tpu.memory_space<hbm>> -> memref<1000000x64xf32, #tpu.memory_space<hbm>>
    tpu.enqueue_indirect_dma source(%dma_start3A_29 : memref<1000000x64xf32, #tpu.memory_space<hbm>>) target(%dma_start3A_23 : memref<128x64xf32, #tpu.memory_space<vmem>>) offsets(%dma_start3A_26 : memref<128xi32, #tpu.memory_space<vmem>>) semaphore(%arg7 : memref<!tpu.dma_semaphore, #tpu.memory_space<semaphore_mem>>)
    %dma_start3A_30 = arith.constant 0 : i32
    %dma_start3A_31 = arith.constant 2 : i32
    %dma_start3A_32 = arith.constant 0 : i32
    %dma_start3A_33 = arith.constant 256 : i32
    %dma_start3A_34 = arith.constant 0 : i32
    %dma_start3A_35 = tpu.memref_slice %arg6[%dma_start3A_32, %dma_start3A_33, %dma_start3A_34] : memref<3x512x64xf32, #tpu.memory_space<vmem>> -> memref<1x128x64xf32, #tpu.memory_space<vmem>>
    %dma_start3A_36 = tpu.memref_squeeze %dma_start3A_35 : memref<1x128x64xf32, #tpu.memory_space<vmem>> -> memref<128x64xf32, #tpu.memory_space<vmem>>
    %dma_start3A_37 = arith.constant 0 : i32
    %dma_start3A_38 = tpu.memref_slice %arg5[%dma_start3A_30, %dma_start3A_31, %dma_start3A_37] : memref<3x4x128xi32, #tpu.memory_space<vmem>> -> memref<1x1x128xi32, #tpu.memory_space<vmem>>
    %dma_start3A_39 = tpu.memref_squeeze %dma_start3A_38 : memref<1x1x128xi32, #tpu.memory_space<vmem>> -> memref<128xi32, #tpu.memory_space<vmem>>
    %dma_start3A_40 = arith.constant 0 : i32
    %dma_start3A_41 = arith.constant 0 : i32
    %dma_start3A_42 = tpu.memref_slice %arg3[%dma_start3A_40, %dma_start3A_41] : memref<1000000x64xf32, #tpu.memory_space<hbm>> -> memref<1000000x64xf32, #tpu.memory_space<hbm>>
    tpu.enqueue_indirect_dma source(%dma_start3A_42 : memref<1000000x64xf32, #tpu.memory_space<hbm>>) target(%dma_start3A_36 : memref<128x64xf32, #tpu.memory_space<vmem>>) offsets(%dma_start3A_39 : memref<128xi32, #tpu.memory_space<vmem>>) semaphore(%arg7 : memref<!tpu.dma_semaphore, #tpu.memory_space<semaphore_mem>>)
    %dma_start3A_43 = arith.constant 0 : i32
    %dma_start3A_44 = arith.constant 3 : i32
    %dma_start3A_45 = arith.constant 0 : i32
    %dma_start3A_46 = arith.constant 384 : i32
    %dma_start3A_47 = arith.constant 0 : i32
    %dma_start3A_48 = tpu.memref_slice %arg6[%dma_start3A_45, %dma_start3A_46, %dma_start3A_47] : memref<3x512x64xf32, #tpu.memory_space<vmem>> -> memref<1x128x64xf32, #tpu.memory_space<vmem>>
    %dma_start3A_49 = tpu.memref_squeeze %dma_start3A_48 : memref<1x128x64xf32, #tpu.memory_space<vmem>> -> memref<128x64xf32, #tpu.memory_space<vmem>>
    %dma_start3A_50 = arith.constant 0 : i32
    %dma_start3A_51 = tpu.memref_slice %arg5[%dma_start3A_43, %dma_start3A_44, %dma_start3A_50] : memref<3x4x128xi32, #tpu.memory_space<vmem>> -> memref<1x1x128xi32, #tpu.memory_space<vmem>>
    %dma_start3A_52 = tpu.memref_squeeze %dma_start3A_51 : memref<1x1x128xi32, #tpu.memory_space<vmem>> -> memref<128xi32, #tpu.memory_space<vmem>>
    %dma_start3A_53 = arith.constant 0 : i32
    %dma_start3A_54 = arith.constant 0 : i32
    %dma_start3A_55 = tpu.memref_slice %arg3[%dma_start3A_53, %dma_start3A_54] : memref<1000000x64xf32, #tpu.memory_space<hbm>> -> memref<1000000x64xf32, #tpu.memory_space<hbm>>
    tpu.enqueue_indirect_dma source(%dma_start3A_55 : memref<1000000x64xf32, #tpu.memory_space<hbm>>) target(%dma_start3A_49 : memref<128x64xf32, #tpu.memory_space<vmem>>) offsets(%dma_start3A_52 : memref<128xi32, #tpu.memory_space<vmem>>) semaphore(%arg7 : memref<!tpu.dma_semaphore, #tpu.memory_space<semaphore_mem>>)
    %add3A_56 = arith.constant 4 : i32
    %add3A_57 = arith.addi %mul3A_2, %add3A_56 : i32
    %run_scoped3A_58 = arith.constant 1 : i32
    "tpu.region"() ({
      %run_scoped3A_380 = tpu.sem_alloc : memref<!tpu.dma_semaphore, #tpu.memory_space<semaphore_mem>>
      %dma_start3A_381 = arith.constant 0 : i32
      %dma_start3A_382 = arith.constant 0 : i32
      %dma_start3A_383 = tpu.memref_slice %arg5[%run_scoped3A_58, %dma_start3A_381, %dma_start3A_382] : memref<3x4x128xi32, #tpu.memory_space<vmem>> -> memref<1x4x128xi32, #tpu.memory_space<vmem>>
      %dma_start3A_384 = tpu.memref_squeeze %dma_start3A_383 : memref<1x4x128xi32, #tpu.memory_space<vmem>> -> memref<4x128xi32, #tpu.memory_space<vmem>>
      %dma_start3A_385 = arith.constant 0 : i32
      %dma_start3A_386 = tpu.memref_slice %arg2[%add3A_57, %dma_start3A_385] : memref<25600x128xi32, #tpu.memory_space<hbm>> -> memref<4x128xi32, #tpu.memory_space<hbm>>
      %dma_start3A_387 = arith.constant 0 : i32
      %dma_start3A_388 = arith.constant 0 : i32
      %dma_start3A_389 = tpu.memref_slice %arg5[%run_scoped3A_58, %dma_start3A_387, %dma_start3A_388] : memref<3x4x128xi32, #tpu.memory_space<vmem>> -> memref<1x4x128xi32, #tpu.memory_space<vmem>>
      %dma_start3A_390 = tpu.memref_squeeze %dma_start3A_389 : memref<1x4x128xi32, #tpu.memory_space<vmem>> -> memref<4x128xi32, #tpu.memory_space<vmem>>
      %dma_start3A_391 = arith.constant 0 : i32
      %dma_start3A_392 = tpu.memref_slice %arg2[%add3A_57, %dma_start3A_391] : memref<25600x128xi32, #tpu.memory_space<hbm>> -> memref<4x128xi32, #tpu.memory_space<hbm>>
      tpu.enqueue_dma source(%dma_start3A_392 : memref<4x128xi32, #tpu.memory_space<hbm>>) target(%dma_start3A_390 : memref<4x128xi32, #tpu.memory_space<vmem>>) target_semaphore(%run_scoped3A_380 : memref<!tpu.dma_semaphore, #tpu.memory_space<semaphore_mem>>)
      %dma_wait3A_393 = arith.constant 0 : i32
      %dma_wait3A_394 = arith.constant 0 : i32
      %dma_wait3A_395 = tpu.memref_slice %arg5[%run_scoped3A_58, %dma_wait3A_393, %dma_wait3A_394] : memref<3x4x128xi32, #tpu.memory_space<vmem>> -> memref<1x4x128xi32, #tpu.memory_space<vmem>>
      %dma_wait3A_396 = tpu.memref_squeeze %dma_wait3A_395 : memref<1x4x128xi32, #tpu.memory_space<vmem>> -> memref<4x128xi32, #tpu.memory_space<vmem>>
      %dma_wait3A_397 = arith.constant 0 : i32
      %dma_wait3A_398 = tpu.memref_slice %arg2[%add3A_57, %dma_wait3A_397] : memref<25600x128xi32, #tpu.memory_space<hbm>> -> memref<4x128xi32, #tpu.memory_space<hbm>>
      %dma_wait3A_399 = arith.constant 0 : i32
      %dma_wait3A_400 = arith.constant 0 : i32
      %dma_wait3A_401 = tpu.memref_slice %arg5[%run_scoped3A_58, %dma_wait3A_399, %dma_wait3A_400] : memref<3x4x128xi32, #tpu.memory_space<vmem>> -> memref<1x4x128xi32, #tpu.memory_space<vmem>>
      %dma_wait3A_402 = tpu.memref_squeeze %dma_wait3A_401 : memref<1x4x128xi32, #tpu.memory_space<vmem>> -> memref<4x128xi32, #tpu.memory_space<vmem>>
      %dma_wait3A_403 = arith.constant 0 : i32
      %dma_wait3A_404 = tpu.memref_slice %arg2[%add3A_57, %dma_wait3A_403] : memref<25600x128xi32, #tpu.memory_space<hbm>> -> memref<4x128xi32, #tpu.memory_space<hbm>>
      tpu.wait_dma2 semaphore(%run_scoped3A_380 : memref<!tpu.dma_semaphore, #tpu.memory_space<semaphore_mem>>) src(%dma_wait3A_404 : memref<4x128xi32, #tpu.memory_space<hbm>>) dst(%dma_wait3A_402 : memref<4x128xi32, #tpu.memory_space<vmem>>)
      tpu.yield
    }) : () -> ()
    %dma_start3A_59 = arith.constant 1 : i32
    %dma_start3A_60 = arith.constant 0 : i32
    %dma_start3A_61 = arith.constant 1 : i32
    %dma_start3A_62 = arith.constant 0 : i32
    %dma_start3A_63 = arith.constant 0 : i32
    %dma_start3A_64 = tpu.memref_slice %arg6[%dma_start3A_61, %dma_start3A_62, %dma_start3A_63] : memref<3x512x64xf32, #tpu.memory_space<vmem>> -> memref<1x128x64xf32, #tpu.memory_space<vmem>>
    %dma_start3A_65 = tpu.memref_squeeze %dma_start3A_64 : memref<1x128x64xf32, #tpu.memory_space<vmem>> -> memref<128x64xf32, #tpu.memory_space<vmem>>
    %dma_start3A_66 = arith.constant 0 : i32
    %dma_start3A_67 = tpu.memref_slice %arg5[%dma_start3A_59, %dma_start3A_60, %dma_start3A_66] : memref<3x4x128xi32, #tpu.memory_space<vmem>> -> memref<1x1x128xi32, #tpu.memory_space<vmem>>
    %dma_start3A_68 = tpu.memref_squeeze %dma_start3A_67 : memref<1x1x128xi32, #tpu.memory_space<vmem>> -> memref<128xi32, #tpu.memory_space<vmem>>
    %dma_start3A_69 = arith.constant 0 : i32
    %dma_start3A_70 = arith.constant 0 : i32
    %dma_start3A_71 = tpu.memref_slice %arg3[%dma_start3A_69, %dma_start3A_70] : memref<1000000x64xf32, #tpu.memory_space<hbm>> -> memref<1000000x64xf32, #tpu.memory_space<hbm>>
    tpu.enqueue_indirect_dma source(%dma_start3A_71 : memref<1000000x64xf32, #tpu.memory_space<hbm>>) target(%dma_start3A_65 : memref<128x64xf32, #tpu.memory_space<vmem>>) offsets(%dma_start3A_68 : memref<128xi32, #tpu.memory_space<vmem>>) semaphore(%arg8 : memref<!tpu.dma_semaphore, #tpu.memory_space<semaphore_mem>>)
    %dma_start3A_72 = arith.constant 1 : i32
    %dma_start3A_73 = arith.constant 1 : i32
    %dma_start3A_74 = arith.constant 1 : i32
    %dma_start3A_75 = arith.constant 128 : i32
    %dma_start3A_76 = arith.constant 0 : i32
    %dma_start3A_77 = tpu.memref_slice %arg6[%dma_start3A_74, %dma_start3A_75, %dma_start3A_76] : memref<3x512x64xf32, #tpu.memory_space<vmem>> -> memref<1x128x64xf32, #tpu.memory_space<vmem>>
    %dma_start3A_78 = tpu.memref_squeeze %dma_start3A_77 : memref<1x128x64xf32, #tpu.memory_space<vmem>> -> memref<128x64xf32, #tpu.memory_space<vmem>>
    %dma_start3A_79 = arith.constant 0 : i32
    %dma_start3A_80 = tpu.memref_slice %arg5[%dma_start3A_72, %dma_start3A_73, %dma_start3A_79] : memref<3x4x128xi32, #tpu.memory_space<vmem>> -> memref<1x1x128xi32, #tpu.memory_space<vmem>>
    %dma_start3A_81 = tpu.memref_squeeze %dma_start3A_80 : memref<1x1x128xi32, #tpu.memory_space<vmem>> -> memref<128xi32, #tpu.memory_space<vmem>>
    %dma_start3A_82 = arith.constant 0 : i32
    %dma_start3A_83 = arith.constant 0 : i32
    %dma_start3A_84 = tpu.memref_slice %arg3[%dma_start3A_82, %dma_start3A_83] : memref<1000000x64xf32, #tpu.memory_space<hbm>> -> memref<1000000x64xf32, #tpu.memory_space<hbm>>
    tpu.enqueue_indirect_dma source(%dma_start3A_84 : memref<1000000x64xf32, #tpu.memory_space<hbm>>) target(%dma_start3A_78 : memref<128x64xf32, #tpu.memory_space<vmem>>) offsets(%dma_start3A_81 : memref<128xi32, #tpu.memory_space<vmem>>) semaphore(%arg8 : memref<!tpu.dma_semaphore, #tpu.memory_space<semaphore_mem>>)
    %dma_start3A_85 = arith.constant 1 : i32
    %dma_start3A_86 = arith.constant 2 : i32
    %dma_start3A_87 = arith.constant 1 : i32
    %dma_start3A_88 = arith.constant 256 : i32
    %dma_start3A_89 = arith.constant 0 : i32
    %dma_start3A_90 = tpu.memref_slice %arg6[%dma_start3A_87, %dma_start3A_88, %dma_start3A_89] : memref<3x512x64xf32, #tpu.memory_space<vmem>> -> memref<1x128x64xf32, #tpu.memory_space<vmem>>
    %dma_start3A_91 = tpu.memref_squeeze %dma_start3A_90 : memref<1x128x64xf32, #tpu.memory_space<vmem>> -> memref<128x64xf32, #tpu.memory_space<vmem>>
    %dma_start3A_92 = arith.constant 0 : i32
    %dma_start3A_93 = tpu.memref_slice %arg5[%dma_start3A_85, %dma_start3A_86, %dma_start3A_92] : memref<3x4x128xi32, #tpu.memory_space<vmem>> -> memref<1x1x128xi32, #tpu.memory_space<vmem>>
    %dma_start3A_94 = tpu.memref_squeeze %dma_start3A_93 : memref<1x1x128xi32, #tpu.memory_space<vmem>> -> memref<128xi32, #tpu.memory_space<vmem>>
    %dma_start3A_95 = arith.constant 0 : i32
    %dma_start3A_96 = arith.constant 0 : i32
    %dma_start3A_97 = tpu.memref_slice %arg3[%dma_start3A_95, %dma_start3A_96] : memref<1000000x64xf32, #tpu.memory_space<hbm>> -> memref<1000000x64xf32, #tpu.memory_space<hbm>>
    tpu.enqueue_indirect_dma source(%dma_start3A_97 : memref<1000000x64xf32, #tpu.memory_space<hbm>>) target(%dma_start3A_91 : memref<128x64xf32, #tpu.memory_space<vmem>>) offsets(%dma_start3A_94 : memref<128xi32, #tpu.memory_space<vmem>>) semaphore(%arg8 : memref<!tpu.dma_semaphore, #tpu.memory_space<semaphore_mem>>)
    %dma_start3A_98 = arith.constant 1 : i32
    %dma_start3A_99 = arith.constant 3 : i32
    %dma_start3A_100 = arith.constant 1 : i32
    %dma_start3A_101 = arith.constant 384 : i32
    %dma_start3A_102 = arith.constant 0 : i32
    %dma_start3A_103 = tpu.memref_slice %arg6[%dma_start3A_100, %dma_start3A_101, %dma_start3A_102] : memref<3x512x64xf32, #tpu.memory_space<vmem>> -> memref<1x128x64xf32, #tpu.memory_space<vmem>>
    %dma_start3A_104 = tpu.memref_squeeze %dma_start3A_103 : memref<1x128x64xf32, #tpu.memory_space<vmem>> -> memref<128x64xf32, #tpu.memory_space<vmem>>
    %dma_start3A_105 = arith.constant 0 : i32
    %dma_start3A_106 = tpu.memref_slice %arg5[%dma_start3A_98, %dma_start3A_99, %dma_start3A_105] : memref<3x4x128xi32, #tpu.memory_space<vmem>> -> memref<1x1x128xi32, #tpu.memory_space<vmem>>
    %dma_start3A_107 = tpu.memref_squeeze %dma_start3A_106 : memref<1x1x128xi32, #tpu.memory_space<vmem>> -> memref<128xi32, #tpu.memory_space<vmem>>
    %dma_start3A_108 = arith.constant 0 : i32
    %dma_start3A_109 = arith.constant 0 : i32
    %dma_start3A_110 = tpu.memref_slice %arg3[%dma_start3A_108, %dma_start3A_109] : memref<1000000x64xf32, #tpu.memory_space<hbm>> -> memref<1000000x64xf32, #tpu.memory_space<hbm>>
    tpu.enqueue_indirect_dma source(%dma_start3A_110 : memref<1000000x64xf32, #tpu.memory_space<hbm>>) target(%dma_start3A_104 : memref<128x64xf32, #tpu.memory_space<vmem>>) offsets(%dma_start3A_107 : memref<128xi32, #tpu.memory_space<vmem>>) semaphore(%arg8 : memref<!tpu.dma_semaphore, #tpu.memory_space<semaphore_mem>>)
    %add3A_111 = arith.constant 8 : i32
    %add3A_112 = arith.addi %mul3A_2, %add3A_111 : i32
    %run_scoped3A_113 = arith.constant 2 : i32
    "tpu.region"() ({
      %run_scoped3A_380 = tpu.sem_alloc : memref<!tpu.dma_semaphore, #tpu.memory_space<semaphore_mem>>
      %dma_start3A_381 = arith.constant 0 : i32
      %dma_start3A_382 = arith.constant 0 : i32
      %dma_start3A_383 = tpu.memref_slice %arg5[%run_scoped3A_113, %dma_start3A_381, %dma_start3A_382] : memref<3x4x128xi32, #tpu.memory_space<vmem>> -> memref<1x4x128xi32, #tpu.memory_space<vmem>>
      %dma_start3A_384 = tpu.memref_squeeze %dma_start3A_383 : memref<1x4x128xi32, #tpu.memory_space<vmem>> -> memref<4x128xi32, #tpu.memory_space<vmem>>
      %dma_start3A_385 = arith.constant 0 : i32
      %dma_start3A_386 = tpu.memref_slice %arg2[%add3A_112, %dma_start3A_385] : memref<25600x128xi32, #tpu.memory_space<hbm>> -> memref<4x128xi32, #tpu.memory_space<hbm>>
      %dma_start3A_387 = arith.constant 0 : i32
      %dma_start3A_388 = arith.constant 0 : i32
      %dma_start3A_389 = tpu.memref_slice %arg5[%run_scoped3A_113, %dma_start3A_387, %dma_start3A_388] : memref<3x4x128xi32, #tpu.memory_space<vmem>> -> memref<1x4x128xi32, #tpu.memory_space<vmem>>
      %dma_start3A_390 = tpu.memref_squeeze %dma_start3A_389 : memref<1x4x128xi32, #tpu.memory_space<vmem>> -> memref<4x128xi32, #tpu.memory_space<vmem>>
      %dma_start3A_391 = arith.constant 0 : i32
      %dma_start3A_392 = tpu.memref_slice %arg2[%add3A_112, %dma_start3A_391] : memref<25600x128xi32, #tpu.memory_space<hbm>> -> memref<4x128xi32, #tpu.memory_space<hbm>>
      tpu.enqueue_dma source(%dma_start3A_392 : memref<4x128xi32, #tpu.memory_space<hbm>>) target(%dma_start3A_390 : memref<4x128xi32, #tpu.memory_space<vmem>>) target_semaphore(%run_scoped3A_380 : memref<!tpu.dma_semaphore, #tpu.memory_space<semaphore_mem>>)
      %dma_wait3A_393 = arith.constant 0 : i32
      %dma_wait3A_394 = arith.constant 0 : i32
      %dma_wait3A_395 = tpu.memref_slice %arg5[%run_scoped3A_113, %dma_wait3A_393, %dma_wait3A_394] : memref<3x4x128xi32, #tpu.memory_space<vmem>> -> memref<1x4x128xi32, #tpu.memory_space<vmem>>
      %dma_wait3A_396 = tpu.memref_squeeze %dma_wait3A_395 : memref<1x4x128xi32, #tpu.memory_space<vmem>> -> memref<4x128xi32, #tpu.memory_space<vmem>>
      %dma_wait3A_397 = arith.constant 0 : i32
      %dma_wait3A_398 = tpu.memref_slice %arg2[%add3A_112, %dma_wait3A_397] : memref<25600x128xi32, #tpu.memory_space<hbm>> -> memref<4x128xi32, #tpu.memory_space<hbm>>
      %dma_wait3A_399 = arith.constant 0 : i32
      %dma_wait3A_400 = arith.constant 0 : i32
      %dma_wait3A_401 = tpu.memref_slice %arg5[%run_scoped3A_113, %dma_wait3A_399, %dma_wait3A_400] : memref<3x4x128xi32, #tpu.memory_space<vmem>> -> memref<1x4x128xi32, #tpu.memory_space<vmem>>
      %dma_wait3A_402 = tpu.memref_squeeze %dma_wait3A_401 : memref<1x4x128xi32, #tpu.memory_space<vmem>> -> memref<4x128xi32, #tpu.memory_space<vmem>>
      %dma_wait3A_403 = arith.constant 0 : i32
      %dma_wait3A_404 = tpu.memref_slice %arg2[%add3A_112, %dma_wait3A_403] : memref<25600x128xi32, #tpu.memory_space<hbm>> -> memref<4x128xi32, #tpu.memory_space<hbm>>
      tpu.wait_dma2 semaphore(%run_scoped3A_380 : memref<!tpu.dma_semaphore, #tpu.memory_space<semaphore_mem>>) src(%dma_wait3A_404 : memref<4x128xi32, #tpu.memory_space<hbm>>) dst(%dma_wait3A_402 : memref<4x128xi32, #tpu.memory_space<vmem>>)
      tpu.yield
    }) : () -> ()
    %dma_start3A_114 = arith.constant 2 : i32
    %dma_start3A_115 = arith.constant 0 : i32
    %dma_start3A_116 = arith.constant 2 : i32
    %dma_start3A_117 = arith.constant 0 : i32
    %dma_start3A_118 = arith.constant 0 : i32
    %dma_start3A_119 = tpu.memref_slice %arg6[%dma_start3A_116, %dma_start3A_117, %dma_start3A_118] : memref<3x512x64xf32, #tpu.memory_space<vmem>> -> memref<1x128x64xf32, #tpu.memory_space<vmem>>
    %dma_start3A_120 = tpu.memref_squeeze %dma_start3A_119 : memref<1x128x64xf32, #tpu.memory_space<vmem>> -> memref<128x64xf32, #tpu.memory_space<vmem>>
    %dma_start3A_121 = arith.constant 0 : i32
    %dma_start3A_122 = tpu.memref_slice %arg5[%dma_start3A_114, %dma_start3A_115, %dma_start3A_121] : memref<3x4x128xi32, #tpu.memory_space<vmem>> -> memref<1x1x128xi32, #tpu.memory_space<vmem>>
    %dma_start3A_123 = tpu.memref_squeeze %dma_start3A_122 : memref<1x1x128xi32, #tpu.memory_space<vmem>> -> memref<128xi32, #tpu.memory_space<vmem>>
    %dma_start3A_124 = arith.constant 0 : i32
    %dma_start3A_125 = arith.constant 0 : i32
    %dma_start3A_126 = tpu.memref_slice %arg3[%dma_start3A_124, %dma_start3A_125] : memref<1000000x64xf32, #tpu.memory_space<hbm>> -> memref<1000000x64xf32, #tpu.memory_space<hbm>>
    tpu.enqueue_indirect_dma source(%dma_start3A_126 : memref<1000000x64xf32, #tpu.memory_space<hbm>>) target(%dma_start3A_120 : memref<128x64xf32, #tpu.memory_space<vmem>>) offsets(%dma_start3A_123 : memref<128xi32, #tpu.memory_space<vmem>>) semaphore(%arg9 : memref<!tpu.dma_semaphore, #tpu.memory_space<semaphore_mem>>)
    %dma_start3A_127 = arith.constant 2 : i32
    %dma_start3A_128 = arith.constant 1 : i32
    %dma_start3A_129 = arith.constant 2 : i32
    %dma_start3A_130 = arith.constant 128 : i32
    %dma_start3A_131 = arith.constant 0 : i32
    %dma_start3A_132 = tpu.memref_slice %arg6[%dma_start3A_129, %dma_start3A_130, %dma_start3A_131] : memref<3x512x64xf32, #tpu.memory_space<vmem>> -> memref<1x128x64xf32, #tpu.memory_space<vmem>>
    %dma_start3A_133 = tpu.memref_squeeze %dma_start3A_132 : memref<1x128x64xf32, #tpu.memory_space<vmem>> -> memref<128x64xf32, #tpu.memory_space<vmem>>
    %dma_start3A_134 = arith.constant 0 : i32
    %dma_start3A_135 = tpu.memref_slice %arg5[%dma_start3A_127, %dma_start3A_128, %dma_start3A_134] : memref<3x4x128xi32, #tpu.memory_space<vmem>> -> memref<1x1x128xi32, #tpu.memory_space<vmem>>
    %dma_start3A_136 = tpu.memref_squeeze %dma_start3A_135 : memref<1x1x128xi32, #tpu.memory_space<vmem>> -> memref<128xi32, #tpu.memory_space<vmem>>
    %dma_start3A_137 = arith.constant 0 : i32
    %dma_start3A_138 = arith.constant 0 : i32
    %dma_start3A_139 = tpu.memref_slice %arg3[%dma_start3A_137, %dma_start3A_138] : memref<1000000x64xf32, #tpu.memory_space<hbm>> -> memref<1000000x64xf32, #tpu.memory_space<hbm>>
    tpu.enqueue_indirect_dma source(%dma_start3A_139 : memref<1000000x64xf32, #tpu.memory_space<hbm>>) target(%dma_start3A_133 : memref<128x64xf32, #tpu.memory_space<vmem>>) offsets(%dma_start3A_136 : memref<128xi32, #tpu.memory_space<vmem>>) semaphore(%arg9 : memref<!tpu.dma_semaphore, #tpu.memory_space<semaphore_mem>>)
    %dma_start3A_140 = arith.constant 2 : i32
    %dma_start3A_141 = arith.constant 2 : i32
    %dma_start3A_142 = arith.constant 2 : i32
    %dma_start3A_143 = arith.constant 256 : i32
    %dma_start3A_144 = arith.constant 0 : i32
    %dma_start3A_145 = tpu.memref_slice %arg6[%dma_start3A_142, %dma_start3A_143, %dma_start3A_144] : memref<3x512x64xf32, #tpu.memory_space<vmem>> -> memref<1x128x64xf32, #tpu.memory_space<vmem>>
    %dma_start3A_146 = tpu.memref_squeeze %dma_start3A_145 : memref<1x128x64xf32, #tpu.memory_space<vmem>> -> memref<128x64xf32, #tpu.memory_space<vmem>>
    %dma_start3A_147 = arith.constant 0 : i32
    %dma_start3A_148 = tpu.memref_slice %arg5[%dma_start3A_140, %dma_start3A_141, %dma_start3A_147] : memref<3x4x128xi32, #tpu.memory_space<vmem>> -> memref<1x1x128xi32, #tpu.memory_space<vmem>>
    %dma_start3A_149 = tpu.memref_squeeze %dma_start3A_148 : memref<1x1x128xi32, #tpu.memory_space<vmem>> -> memref<128xi32, #tpu.memory_space<vmem>>
    %dma_start3A_150 = arith.constant 0 : i32
    %dma_start3A_151 = arith.constant 0 : i32
    %dma_start3A_152 = tpu.memref_slice %arg3[%dma_start3A_150, %dma_start3A_151] : memref<1000000x64xf32, #tpu.memory_space<hbm>> -> memref<1000000x64xf32, #tpu.memory_space<hbm>>
    tpu.enqueue_indirect_dma source(%dma_start3A_152 : memref<1000000x64xf32, #tpu.memory_space<hbm>>) target(%dma_start3A_146 : memref<128x64xf32, #tpu.memory_space<vmem>>) offsets(%dma_start3A_149 : memref<128xi32, #tpu.memory_space<vmem>>) semaphore(%arg9 : memref<!tpu.dma_semaphore, #tpu.memory_space<semaphore_mem>>)
    %dma_start3A_153 = arith.constant 2 : i32
    %dma_start3A_154 = arith.constant 3 : i32
    %dma_start3A_155 = arith.constant 2 : i32
    %dma_start3A_156 = arith.constant 384 : i32
    %dma_start3A_157 = arith.constant 0 : i32
    %dma_start3A_158 = tpu.memref_slice %arg6[%dma_start3A_155, %dma_start3A_156, %dma_start3A_157] : memref<3x512x64xf32, #tpu.memory_space<vmem>> -> memref<1x128x64xf32, #tpu.memory_space<vmem>>
    %dma_start3A_159 = tpu.memref_squeeze %dma_start3A_158 : memref<1x128x64xf32, #tpu.memory_space<vmem>> -> memref<128x64xf32, #tpu.memory_space<vmem>>
    %dma_start3A_160 = arith.constant 0 : i32
    %dma_start3A_161 = tpu.memref_slice %arg5[%dma_start3A_153, %dma_start3A_154, %dma_start3A_160] : memref<3x4x128xi32, #tpu.memory_space<vmem>> -> memref<1x1x128xi32, #tpu.memory_space<vmem>>
    %dma_start3A_162 = tpu.memref_squeeze %dma_start3A_161 : memref<1x1x128xi32, #tpu.memory_space<vmem>> -> memref<128xi32, #tpu.memory_space<vmem>>
    %dma_start3A_163 = arith.constant 0 : i32
    %dma_start3A_164 = arith.constant 0 : i32
    %dma_start3A_165 = tpu.memref_slice %arg3[%dma_start3A_163, %dma_start3A_164] : memref<1000000x64xf32, #tpu.memory_space<hbm>> -> memref<1000000x64xf32, #tpu.memory_space<hbm>>
    tpu.enqueue_indirect_dma source(%dma_start3A_165 : memref<1000000x64xf32, #tpu.memory_space<hbm>>) target(%dma_start3A_159 : memref<128x64xf32, #tpu.memory_space<vmem>>) offsets(%dma_start3A_162 : memref<128xi32, #tpu.memory_space<vmem>>) semaphore(%arg9 : memref<!tpu.dma_semaphore, #tpu.memory_space<semaphore_mem>>)
    %scan3A = arith.constant 0 : i32
    %scan3A_166 = arith.constant 0 : i32
    %scan3A_167 = arith.constant 65 : i32
    %scan3A_168 = arith.addi %scan3A_166, %scan3A_167 : i32
    %scan3A_169 = arith.constant 1 : i32
    scf.for %scan3A_380 = %scan3A_166 to %scan3A_168 step %scan3A_169  : i32 {
      %mul3A_381 = arith.constant 3 : i32
      %mul3A_382 = arith.muli %scan3A_380, %mul3A_381 : i32
      %add3A_383 = arith.constant 0 : i32
      %add3A_384 = arith.addi %mul3A_382, %add3A_383 : i32
      %dma_wait3A_385 = arith.constant 0 : i32
      %dma_wait3A_386 = arith.constant 0 : i32
      %dma_wait3A_387 = arith.constant 0 : i32
      %dma_wait3A_388 = tpu.memref_slice %arg6[%dma_wait3A_385, %dma_wait3A_386, %dma_wait3A_387] : memref<3x512x64xf32, #tpu.memory_space<vmem>> -> memref<1x512x64xf32, #tpu.memory_space<vmem>>
      %dma_wait3A_389 = tpu.memref_squeeze %dma_wait3A_388 : memref<1x512x64xf32, #tpu.memory_space<vmem>> -> memref<512x64xf32, #tpu.memory_space<vmem>>
      %dma_wait3A_390 = arith.constant 0 : i32
      %dma_wait3A_391 = arith.constant 0 : i32
      %dma_wait3A_392 = tpu.memref_slice %arg3[%dma_wait3A_390, %dma_wait3A_391] : memref<1000000x64xf32, #tpu.memory_space<hbm>> -> memref<512x64xf32, #tpu.memory_space<hbm>>
      %dma_wait3A_393 = arith.constant 0 : i32
      %dma_wait3A_394 = arith.constant 0 : i32
      %dma_wait3A_395 = tpu.memref_slice %arg6[%dma_wait3A_385, %dma_wait3A_393, %dma_wait3A_394] : memref<3x512x64xf32, #tpu.memory_space<vmem>> -> memref<1x512x64xf32, #tpu.memory_space<vmem>>
      %dma_wait3A_396 = tpu.memref_squeeze %dma_wait3A_395 : memref<1x512x64xf32, #tpu.memory_space<vmem>> -> memref<512x64xf32, #tpu.memory_space<vmem>>
      %dma_wait3A_397 = arith.constant 0 : i32
      %dma_wait3A_398 = arith.constant 0 : i32
      %dma_wait3A_399 = tpu.memref_slice %arg3[%dma_wait3A_397, %dma_wait3A_398] : memref<1000000x64xf32, #tpu.memory_space<hbm>> -> memref<512x64xf32, #tpu.memory_space<hbm>>
      tpu.wait_dma2 semaphore(%arg7 : memref<!tpu.dma_semaphore, #tpu.memory_space<semaphore_mem>>) src(%dma_wait3A_399 : memref<512x64xf32, #tpu.memory_space<hbm>>) dst(%dma_wait3A_396 : memref<512x64xf32, #tpu.memory_space<vmem>>)
      %mul3A_400 = arith.constant 4 : i32
      %mul3A_401 = arith.muli %add3A_384, %mul3A_400 : i32
      %add3A_402 = arith.addi %mul3A_2, %mul3A_401 : i32
      %mul3A_403 = arith.constant 128 : i32
      %mul3A_404 = arith.muli %add3A_402, %mul3A_403 : i32
      %dma_start3A_405 = arith.constant 0 : i32
      %dma_start3A_406 = arith.constant 0 : i32
      %dma_start3A_407 = arith.constant 0 : i32
      %dma_start3A_408 = tpu.memref_slice %arg6[%dma_start3A_405, %dma_start3A_406, %dma_start3A_407] : memref<3x512x64xf32, #tpu.memory_space<vmem>> -> memref<1x512x64xf32, #tpu.memory_space<vmem>>
      %dma_start3A_409 = tpu.memref_squeeze %dma_start3A_408 : memref<1x512x64xf32, #tpu.memory_space<vmem>> -> memref<512x64xf32, #tpu.memory_space<vmem>>
      %dma_start3A_410 = arith.constant 0 : i32
      %dma_start3A_411 = tpu.memref_slice %arg4[%mul3A_404, %dma_start3A_410] : memref<3276800x64xf32, #tpu.memory_space<hbm>> -> memref<512x64xf32, #tpu.memory_space<hbm>>
      %dma_start3A_412 = arith.constant 0 : i32
      %dma_start3A_413 = tpu.memref_slice %arg4[%mul3A_404, %dma_start3A_412] : memref<3276800x64xf32, #tpu.memory_space<hbm>> -> memref<512x64xf32, #tpu.memory_space<hbm>>
      %dma_start3A_414 = arith.constant 0 : i32
      %dma_start3A_415 = arith.constant 0 : i32
      %dma_start3A_416 = tpu.memref_slice %arg6[%dma_start3A_405, %dma_start3A_414, %dma_start3A_415] : memref<3x512x64xf32, #tpu.memory_space<vmem>> -> memref<1x512x64xf32, #tpu.memory_space<vmem>>
      %dma_start3A_417 = tpu.memref_squeeze %dma_start3A_416 : memref<1x512x64xf32, #tpu.memory_space<vmem>> -> memref<512x64xf32, #tpu.memory_space<vmem>>
      tpu.enqueue_dma source(%dma_start3A_417 : memref<512x64xf32, #tpu.memory_space<vmem>>) target(%dma_start3A_413 : memref<512x64xf32, #tpu.memory_space<hbm>>) target_semaphore(%arg10 : memref<!tpu.dma_semaphore, #tpu.memory_space<semaphore_mem>>)
      %add3A_418 = arith.constant 3 : i32
      %add3A_419 = arith.addi %add3A_384, %add3A_418 : i32
      %mul3A_420 = arith.constant 4 : i32
      %mul3A_421 = arith.muli %add3A_419, %mul3A_420 : i32
      %add3A_422 = arith.addi %mul3A_2, %mul3A_421 : i32
      %run_scoped3A_423 = arith.constant 0 : i32
      "tpu.region"() ({
        %run_scoped3A_705 = tpu.sem_alloc : memref<!tpu.dma_semaphore, #tpu.memory_space<semaphore_mem>>
        %dma_start3A_706 = arith.constant 0 : i32
        %dma_start3A_707 = arith.constant 0 : i32
        %dma_start3A_708 = tpu.memref_slice %arg5[%run_scoped3A_423, %dma_start3A_706, %dma_start3A_707] : memref<3x4x128xi32, #tpu.memory_space<vmem>> -> memref<1x4x128xi32, #tpu.memory_space<vmem>>
        %dma_start3A_709 = tpu.memref_squeeze %dma_start3A_708 : memref<1x4x128xi32, #tpu.memory_space<vmem>> -> memref<4x128xi32, #tpu.memory_space<vmem>>
        %dma_start3A_710 = arith.constant 0 : i32
        %dma_start3A_711 = tpu.memref_slice %arg2[%add3A_422, %dma_start3A_710] : memref<25600x128xi32, #tpu.memory_space<hbm>> -> memref<4x128xi32, #tpu.memory_space<hbm>>
        %dma_start3A_712 = arith.constant 0 : i32
        %dma_start3A_713 = arith.constant 0 : i32
        %dma_start3A_714 = tpu.memref_slice %arg5[%run_scoped3A_423, %dma_start3A_712, %dma_start3A_713] : memref<3x4x128xi32, #tpu.memory_space<vmem>> -> memref<1x4x128xi32, #tpu.memory_space<vmem>>
        %dma_start3A_715 = tpu.memref_squeeze %dma_start3A_714 : memref<1x4x128xi32, #tpu.memory_space<vmem>> -> memref<4x128xi32, #tpu.memory_space<vmem>>
        %dma_start3A_716 = arith.constant 0 : i32
        %dma_start3A_717 = tpu.memref_slice %arg2[%add3A_422, %dma_start3A_716] : memref<25600x128xi32, #tpu.memory_space<hbm>> -> memref<4x128xi32, #tpu.memory_space<hbm>>
        tpu.enqueue_dma source(%dma_start3A_717 : memref<4x128xi32, #tpu.memory_space<hbm>>) target(%dma_start3A_715 : memref<4x128xi32, #tpu.memory_space<vmem>>) target_semaphore(%run_scoped3A_705 : memref<!tpu.dma_semaphore, #tpu.memory_space<semaphore_mem>>)
        %dma_wait3A_718 = arith.constant 0 : i32
        %dma_wait3A_719 = arith.constant 0 : i32
        %dma_wait3A_720 = tpu.memref_slice %arg5[%run_scoped3A_423, %dma_wait3A_718, %dma_wait3A_719] : memref<3x4x128xi32, #tpu.memory_space<vmem>> -> memref<1x4x128xi32, #tpu.memory_space<vmem>>
        %dma_wait3A_721 = tpu.memref_squeeze %dma_wait3A_720 : memref<1x4x128xi32, #tpu.memory_space<vmem>> -> memref<4x128xi32, #tpu.memory_space<vmem>>
        %dma_wait3A_722 = arith.constant 0 : i32
        %dma_wait3A_723 = tpu.memref_slice %arg2[%add3A_422, %dma_wait3A_722] : memref<25600x128xi32, #tpu.memory_space<hbm>> -> memref<4x128xi32, #tpu.memory_space<hbm>>
        %dma_wait3A_724 = arith.constant 0 : i32
        %dma_wait3A_725 = arith.constant 0 : i32
        %dma_wait3A_726 = tpu.memref_slice %arg5[%run_scoped3A_423, %dma_wait3A_724, %dma_wait3A_725] : memref<3x4x128xi32, #tpu.memory_space<vmem>> -> memref<1x4x128xi32, #tpu.memory_space<vmem>>
        %dma_wait3A_727 = tpu.memref_squeeze %dma_wait3A_726 : memref<1x4x128xi32, #tpu.memory_space<vmem>> -> memref<4x128xi32, #tpu.memory_space<vmem>>
        %dma_wait3A_728 = arith.constant 0 : i32
        %dma_wait3A_729 = tpu.memref_slice %arg2[%add3A_422, %dma_wait3A_728] : memref<25600x128xi32, #tpu.memory_space<hbm>> -> memref<4x128xi32, #tpu.memory_space<hbm>>
        tpu.wait_dma2 semaphore(%run_scoped3A_705 : memref<!tpu.dma_semaphore, #tpu.memory_space<semaphore_mem>>) src(%dma_wait3A_729 : memref<4x128xi32, #tpu.memory_space<hbm>>) dst(%dma_wait3A_727 : memref<4x128xi32, #tpu.memory_space<vmem>>)
        tpu.yield
      }) : () -> ()
      %dma_wait3A_424 = arith.constant 0 : i32
      %dma_wait3A_425 = arith.constant 0 : i32
      %dma_wait3A_426 = arith.constant 0 : i32
      %dma_wait3A_427 = tpu.memref_slice %arg6[%dma_wait3A_424, %dma_wait3A_425, %dma_wait3A_426] : memref<3x512x64xf32, #tpu.memory_space<vmem>> -> memref<1x512x64xf32, #tpu.memory_space<vmem>>
      %dma_wait3A_428 = tpu.memref_squeeze %dma_wait3A_427 : memref<1x512x64xf32, #tpu.memory_space<vmem>> -> memref<512x64xf32, #tpu.memory_space<vmem>>
      %dma_wait3A_429 = arith.constant 0 : i32
      %dma_wait3A_430 = tpu.memref_slice %arg4[%mul3A_404, %dma_wait3A_429] : memref<3276800x64xf32, #tpu.memory_space<hbm>> -> memref<512x64xf32, #tpu.memory_space<hbm>>
      %dma_wait3A_431 = arith.constant 0 : i32
      %dma_wait3A_432 = tpu.memref_slice %arg4[%mul3A_404, %dma_wait3A_431] : memref<3276800x64xf32, #tpu.memory_space<hbm>> -> memref<512x64xf32, #tpu.memory_space<hbm>>
      %dma_wait3A_433 = arith.constant 0 : i32
      %dma_wait3A_434 = arith.constant 0 : i32
      %dma_wait3A_435 = tpu.memref_slice %arg6[%dma_wait3A_424, %dma_wait3A_433, %dma_wait3A_434] : memref<3x512x64xf32, #tpu.memory_space<vmem>> -> memref<1x512x64xf32, #tpu.memory_space<vmem>>
      %dma_wait3A_436 = tpu.memref_squeeze %dma_wait3A_435 : memref<1x512x64xf32, #tpu.memory_space<vmem>> -> memref<512x64xf32, #tpu.memory_space<vmem>>
      tpu.wait_dma2 semaphore(%arg10 : memref<!tpu.dma_semaphore, #tpu.memory_space<semaphore_mem>>) src(%dma_wait3A_436 : memref<512x64xf32, #tpu.memory_space<vmem>>) dst(%dma_wait3A_432 : memref<512x64xf32, #tpu.memory_space<hbm>>)
      %dma_start3A_437 = arith.constant 0 : i32
      %dma_start3A_438 = arith.constant 0 : i32
      %dma_start3A_439 = arith.constant 0 : i32
      %dma_start3A_440 = arith.constant 0 : i32
      %dma_start3A_441 = arith.constant 0 : i32
      %dma_start3A_442 = tpu.memref_slice %arg6[%dma_start3A_439, %dma_start3A_440, %dma_start3A_441] : memref<3x512x64xf32, #tpu.memory_space<vmem>> -> memref<1x128x64xf32, #tpu.memory_space<vmem>>
      %dma_start3A_443 = tpu.memref_squeeze %dma_start3A_442 : memref<1x128x64xf32, #tpu.memory_space<vmem>> -> memref<128x64xf32, #tpu.memory_space<vmem>>
      %dma_start3A_444 = arith.constant 0 : i32
      %dma_start3A_445 = tpu.memref_slice %arg5[%dma_start3A_437, %dma_start3A_438, %dma_start3A_444] : memref<3x4x128xi32, #tpu.memory_space<vmem>> -> memref<1x1x128xi32, #tpu.memory_space<vmem>>
      %dma_start3A_446 = tpu.memref_squeeze %dma_start3A_445 : memref<1x1x128xi32, #tpu.memory_space<vmem>> -> memref<128xi32, #tpu.memory_space<vmem>>
      %dma_start3A_447 = arith.constant 0 : i32
      %dma_start3A_448 = arith.constant 0 : i32
      %dma_start3A_449 = tpu.memref_slice %arg3[%dma_start3A_447, %dma_start3A_448] : memref<1000000x64xf32, #tpu.memory_space<hbm>> -> memref<1000000x64xf32, #tpu.memory_space<hbm>>
      tpu.enqueue_indirect_dma source(%dma_start3A_449 : memref<1000000x64xf32, #tpu.memory_space<hbm>>) target(%dma_start3A_443 : memref<128x64xf32, #tpu.memory_space<vmem>>) offsets(%dma_start3A_446 : memref<128xi32, #tpu.memory_space<vmem>>) semaphore(%arg7 : memref<!tpu.dma_semaphore, #tpu.memory_space<semaphore_mem>>)
      %dma_start3A_450 = arith.constant 0 : i32
      %dma_start3A_451 = arith.constant 1 : i32
      %dma_start3A_452 = arith.constant 0 : i32
      %dma_start3A_453 = arith.constant 128 : i32
      %dma_start3A_454 = arith.constant 0 : i32
      %dma_start3A_455 = tpu.memref_slice %arg6[%dma_start3A_452, %dma_start3A_453, %dma_start3A_454] : memref<3x512x64xf32, #tpu.memory_space<vmem>> -> memref<1x128x64xf32, #tpu.memory_space<vmem>>
      %dma_start3A_456 = tpu.memref_squeeze %dma_start3A_455 : memref<1x128x64xf32, #tpu.memory_space<vmem>> -> memref<128x64xf32, #tpu.memory_space<vmem>>
      %dma_start3A_457 = arith.constant 0 : i32
      %dma_start3A_458 = tpu.memref_slice %arg5[%dma_start3A_450, %dma_start3A_451, %dma_start3A_457] : memref<3x4x128xi32, #tpu.memory_space<vmem>> -> memref<1x1x128xi32, #tpu.memory_space<vmem>>
      %dma_start3A_459 = tpu.memref_squeeze %dma_start3A_458 : memref<1x1x128xi32, #tpu.memory_space<vmem>> -> memref<128xi32, #tpu.memory_space<vmem>>
      %dma_start3A_460 = arith.constant 0 : i32
      %dma_start3A_461 = arith.constant 0 : i32
      %dma_start3A_462 = tpu.memref_slice %arg3[%dma_start3A_460, %dma_start3A_461] : memref<1000000x64xf32, #tpu.memory_space<hbm>> -> memref<1000000x64xf32, #tpu.memory_space<hbm>>
      tpu.enqueue_indirect_dma source(%dma_start3A_462 : memref<1000000x64xf32, #tpu.memory_space<hbm>>) target(%dma_start3A_456 : memref<128x64xf32, #tpu.memory_space<vmem>>) offsets(%dma_start3A_459 : memref<128xi32, #tpu.memory_space<vmem>>) semaphore(%arg7 : memref<!tpu.dma_semaphore, #tpu.memory_space<semaphore_mem>>)
      %dma_start3A_463 = arith.constant 0 : i32
      %dma_start3A_464 = arith.constant 2 : i32
      %dma_start3A_465 = arith.constant 0 : i32
      %dma_start3A_466 = arith.constant 256 : i32
      %dma_start3A_467 = arith.constant 0 : i32
      %dma_start3A_468 = tpu.memref_slice %arg6[%dma_start3A_465, %dma_start3A_466, %dma_start3A_467] : memref<3x512x64xf32, #tpu.memory_space<vmem>> -> memref<1x128x64xf32, #tpu.memory_space<vmem>>
      %dma_start3A_469 = tpu.memref_squeeze %dma_start3A_468 : memref<1x128x64xf32, #tpu.memory_space<vmem>> -> memref<128x64xf32, #tpu.memory_space<vmem>>
      %dma_start3A_470 = arith.constant 0 : i32
      %dma_start3A_471 = tpu.memref_slice %arg5[%dma_start3A_463, %dma_start3A_464, %dma_start3A_470] : memref<3x4x128xi32, #tpu.memory_space<vmem>> -> memref<1x1x128xi32, #tpu.memory_space<vmem>>
      %dma_start3A_472 = tpu.memref_squeeze %dma_start3A_471 : memref<1x1x128xi32, #tpu.memory_space<vmem>> -> memref<128xi32, #tpu.memory_space<vmem>>
      %dma_start3A_473 = arith.constant 0 : i32
      %dma_start3A_474 = arith.constant 0 : i32
      %dma_start3A_475 = tpu.memref_slice %arg3[%dma_start3A_473, %dma_start3A_474] : memref<1000000x64xf32, #tpu.memory_space<hbm>> -> memref<1000000x64xf32, #tpu.memory_space<hbm>>
      tpu.enqueue_indirect_dma source(%dma_start3A_475 : memref<1000000x64xf32, #tpu.memory_space<hbm>>) target(%dma_start3A_469 : memref<128x64xf32, #tpu.memory_space<vmem>>) offsets(%dma_start3A_472 : memref<128xi32, #tpu.memory_space<vmem>>) semaphore(%arg7 : memref<!tpu.dma_semaphore, #tpu.memory_space<semaphore_mem>>)
      %dma_start3A_476 = arith.constant 0 : i32
      %dma_start3A_477 = arith.constant 3 : i32
      %dma_start3A_478 = arith.constant 0 : i32
      %dma_start3A_479 = arith.constant 384 : i32
      %dma_start3A_480 = arith.constant 0 : i32
      %dma_start3A_481 = tpu.memref_slice %arg6[%dma_start3A_478, %dma_start3A_479, %dma_start3A_480] : memref<3x512x64xf32, #tpu.memory_space<vmem>> -> memref<1x128x64xf32, #tpu.memory_space<vmem>>
      %dma_start3A_482 = tpu.memref_squeeze %dma_start3A_481 : memref<1x128x64xf32, #tpu.memory_space<vmem>> -> memref<128x64xf32, #tpu.memory_space<vmem>>
      %dma_start3A_483 = arith.constant 0 : i32
      %dma_start3A_484 = tpu.memref_slice %arg5[%dma_start3A_476, %dma_start3A_477, %dma_start3A_483] : memref<3x4x128xi32, #tpu.memory_space<vmem>> -> memref<1x1x128xi32, #tpu.memory_space<vmem>>
      %dma_start3A_485 = tpu.memref_squeeze %dma_start3A_484 : memref<1x1x128xi32, #tpu.memory_space<vmem>> -> memref<128xi32, #tpu.memory_space<vmem>>
      %dma_start3A_486 = arith.constant 0 : i32
      %dma_start3A_487 = arith.constant 0 : i32
      %dma_start3A_488 = tpu.memref_slice %arg3[%dma_start3A_486, %dma_start3A_487] : memref<1000000x64xf32, #tpu.memory_space<hbm>> -> memref<1000000x64xf32, #tpu.memory_space<hbm>>
      tpu.enqueue_indirect_dma source(%dma_start3A_488 : memref<1000000x64xf32, #tpu.memory_space<hbm>>) target(%dma_start3A_482 : memref<128x64xf32, #tpu.memory_space<vmem>>) offsets(%dma_start3A_485 : memref<128xi32, #tpu.memory_space<vmem>>) semaphore(%arg7 : memref<!tpu.dma_semaphore, #tpu.memory_space<semaphore_mem>>)
      %mul3A_489 = arith.constant 3 : i32
      %mul3A_490 = arith.muli %scan3A_380, %mul3A_489 : i32
      %add3A_491 = arith.constant 1 : i32
      %add3A_492 = arith.addi %mul3A_490, %add3A_491 : i32
      %dma_wait3A_493 = arith.constant 1 : i32
      %dma_wait3A_494 = arith.constant 0 : i32
      %dma_wait3A_495 = arith.constant 0 : i32
      %dma_wait3A_496 = tpu.memref_slice %arg6[%dma_wait3A_493, %dma_wait3A_494, %dma_wait3A_495] : memref<3x512x64xf32, #tpu.memory_space<vmem>> -> memref<1x512x64xf32, #tpu.memory_space<vmem>>
      %dma_wait3A_497 = tpu.memref_squeeze %dma_wait3A_496 : memref<1x512x64xf32, #tpu.memory_space<vmem>> -> memref<512x64xf32, #tpu.memory_space<vmem>>
      %dma_wait3A_498 = arith.constant 0 : i32
      %dma_wait3A_499 = arith.constant 0 : i32
      %dma_wait3A_500 = tpu.memref_slice %arg3[%dma_wait3A_498, %dma_wait3A_499] : memref<1000000x64xf32, #tpu.memory_space<hbm>> -> memref<512x64xf32, #tpu.memory_space<hbm>>
      %dma_wait3A_501 = arith.constant 0 : i32
      %dma_wait3A_502 = arith.constant 0 : i32
      %dma_wait3A_503 = tpu.memref_slice %arg6[%dma_wait3A_493, %dma_wait3A_501, %dma_wait3A_502] : memref<3x512x64xf32, #tpu.memory_space<vmem>> -> memref<1x512x64xf32, #tpu.memory_space<vmem>>
      %dma_wait3A_504 = tpu.memref_squeeze %dma_wait3A_503 : memref<1x512x64xf32, #tpu.memory_space<vmem>> -> memref<512x64xf32, #tpu.memory_space<vmem>>
      %dma_wait3A_505 = arith.constant 0 : i32
      %dma_wait3A_506 = arith.constant 0 : i32
      %dma_wait3A_507 = tpu.memref_slice %arg3[%dma_wait3A_505, %dma_wait3A_506] : memref<1000000x64xf32, #tpu.memory_space<hbm>> -> memref<512x64xf32, #tpu.memory_space<hbm>>
      tpu.wait_dma2 semaphore(%arg8 : memref<!tpu.dma_semaphore, #tpu.memory_space<semaphore_mem>>) src(%dma_wait3A_507 : memref<512x64xf32, #tpu.memory_space<hbm>>) dst(%dma_wait3A_504 : memref<512x64xf32, #tpu.memory_space<vmem>>)
      %mul3A_508 = arith.constant 4 : i32
      %mul3A_509 = arith.muli %add3A_492, %mul3A_508 : i32
      %add3A_510 = arith.addi %mul3A_2, %mul3A_509 : i32
      %mul3A_511 = arith.constant 128 : i32
      %mul3A_512 = arith.muli %add3A_510, %mul3A_511 : i32
      %dma_start3A_513 = arith.constant 1 : i32
      %dma_start3A_514 = arith.constant 0 : i32
      %dma_start3A_515 = arith.constant 0 : i32
      %dma_start3A_516 = tpu.memref_slice %arg6[%dma_start3A_513, %dma_start3A_514, %dma_start3A_515] : memref<3x512x64xf32, #tpu.memory_space<vmem>> -> memref<1x512x64xf32, #tpu.memory_space<vmem>>
      %dma_start3A_517 = tpu.memref_squeeze %dma_start3A_516 : memref<1x512x64xf32, #tpu.memory_space<vmem>> -> memref<512x64xf32, #tpu.memory_space<vmem>>
      %dma_start3A_518 = arith.constant 0 : i32
      %dma_start3A_519 = tpu.memref_slice %arg4[%mul3A_512, %dma_start3A_518] : memref<3276800x64xf32, #tpu.memory_space<hbm>> -> memref<512x64xf32, #tpu.memory_space<hbm>>
      %dma_start3A_520 = arith.constant 0 : i32
      %dma_start3A_521 = tpu.memref_slice %arg4[%mul3A_512, %dma_start3A_520] : memref<3276800x64xf32, #tpu.memory_space<hbm>> -> memref<512x64xf32, #tpu.memory_space<hbm>>
      %dma_start3A_522 = arith.constant 0 : i32
      %dma_start3A_523 = arith.constant 0 : i32
      %dma_start3A_524 = tpu.memref_slice %arg6[%dma_start3A_513, %dma_start3A_522, %dma_start3A_523] : memref<3x512x64xf32, #tpu.memory_space<vmem>> -> memref<1x512x64xf32, #tpu.memory_space<vmem>>
      %dma_start3A_525 = tpu.memref_squeeze %dma_start3A_524 : memref<1x512x64xf32, #tpu.memory_space<vmem>> -> memref<512x64xf32, #tpu.memory_space<vmem>>
      tpu.enqueue_dma source(%dma_start3A_525 : memref<512x64xf32, #tpu.memory_space<vmem>>) target(%dma_start3A_521 : memref<512x64xf32, #tpu.memory_space<hbm>>) target_semaphore(%arg11 : memref<!tpu.dma_semaphore, #tpu.memory_space<semaphore_mem>>)
      %add3A_526 = arith.constant 3 : i32
      %add3A_527 = arith.addi %add3A_492, %add3A_526 : i32
      %mul3A_528 = arith.constant 4 : i32
      %mul3A_529 = arith.muli %add3A_527, %mul3A_528 : i32
      %add3A_530 = arith.addi %mul3A_2, %mul3A_529 : i32
      %run_scoped3A_531 = arith.constant 1 : i32
      "tpu.region"() ({
        %run_scoped3A_705 = tpu.sem_alloc : memref<!tpu.dma_semaphore, #tpu.memory_space<semaphore_mem>>
        %dma_start3A_706 = arith.constant 0 : i32
        %dma_start3A_707 = arith.constant 0 : i32
        %dma_start3A_708 = tpu.memref_slice %arg5[%run_scoped3A_531, %dma_start3A_706, %dma_start3A_707] : memref<3x4x128xi32, #tpu.memory_space<vmem>> -> memref<1x4x128xi32, #tpu.memory_space<vmem>>
        %dma_start3A_709 = tpu.memref_squeeze %dma_start3A_708 : memref<1x4x128xi32, #tpu.memory_space<vmem>> -> memref<4x128xi32, #tpu.memory_space<vmem>>
        %dma_start3A_710 = arith.constant 0 : i32
        %dma_start3A_711 = tpu.memref_slice %arg2[%add3A_530, %dma_start3A_710] : memref<25600x128xi32, #tpu.memory_space<hbm>> -> memref<4x128xi32, #tpu.memory_space<hbm>>
        %dma_start3A_712 = arith.constant 0 : i32
        %dma_start3A_713 = arith.constant 0 : i32
        %dma_start3A_714 = tpu.memref_slice %arg5[%run_scoped3A_531, %dma_start3A_712, %dma_start3A_713] : memref<3x4x128xi32, #tpu.memory_space<vmem>> -> memref<1x4x128xi32, #tpu.memory_space<vmem>>
        %dma_start3A_715 = tpu.memref_squeeze %dma_start3A_714 : memref<1x4x128xi32, #tpu.memory_space<vmem>> -> memref<4x128xi32, #tpu.memory_space<vmem>>
        %dma_start3A_716 = arith.constant 0 : i32
        %dma_start3A_717 = tpu.memref_slice %arg2[%add3A_530, %dma_start3A_716] : memref<25600x128xi32, #tpu.memory_space<hbm>> -> memref<4x128xi32, #tpu.memory_space<hbm>>
        tpu.enqueue_dma source(%dma_start3A_717 : memref<4x128xi32, #tpu.memory_space<hbm>>) target(%dma_start3A_715 : memref<4x128xi32, #tpu.memory_space<vmem>>) target_semaphore(%run_scoped3A_705 : memref<!tpu.dma_semaphore, #tpu.memory_space<semaphore_mem>>)
        %dma_wait3A_718 = arith.constant 0 : i32
        %dma_wait3A_719 = arith.constant 0 : i32
        %dma_wait3A_720 = tpu.memref_slice %arg5[%run_scoped3A_531, %dma_wait3A_718, %dma_wait3A_719] : memref<3x4x128xi32, #tpu.memory_space<vmem>> -> memref<1x4x128xi32, #tpu.memory_space<vmem>>
        %dma_wait3A_721 = tpu.memref_squeeze %dma_wait3A_720 : memref<1x4x128xi32, #tpu.memory_space<vmem>> -> memref<4x128xi32, #tpu.memory_space<vmem>>
        %dma_wait3A_722 = arith.constant 0 : i32
        %dma_wait3A_723 = tpu.memref_slice %arg2[%add3A_530, %dma_wait3A_722] : memref<25600x128xi32, #tpu.memory_space<hbm>> -> memref<4x128xi32, #tpu.memory_space<hbm>>
        %dma_wait3A_724 = arith.constant 0 : i32
        %dma_wait3A_725 = arith.constant 0 : i32
        %dma_wait3A_726 = tpu.memref_slice %arg5[%run_scoped3A_531, %dma_wait3A_724, %dma_wait3A_725] : memref<3x4x128xi32, #tpu.memory_space<vmem>> -> memref<1x4x128xi32, #tpu.memory_space<vmem>>
        %dma_wait3A_727 = tpu.memref_squeeze %dma_wait3A_726 : memref<1x4x128xi32, #tpu.memory_space<vmem>> -> memref<4x128xi32, #tpu.memory_space<vmem>>
        %dma_wait3A_728 = arith.constant 0 : i32
        %dma_wait3A_729 = tpu.memref_slice %arg2[%add3A_530, %dma_wait3A_728] : memref<25600x128xi32, #tpu.memory_space<hbm>> -> memref<4x128xi32, #tpu.memory_space<hbm>>
        tpu.wait_dma2 semaphore(%run_scoped3A_705 : memref<!tpu.dma_semaphore, #tpu.memory_space<semaphore_mem>>) src(%dma_wait3A_729 : memref<4x128xi32, #tpu.memory_space<hbm>>) dst(%dma_wait3A_727 : memref<4x128xi32, #tpu.memory_space<vmem>>)
        tpu.yield
      }) : () -> ()
      %dma_wait3A_532 = arith.constant 1 : i32
      %dma_wait3A_533 = arith.constant 0 : i32
      %dma_wait3A_534 = arith.constant 0 : i32
      %dma_wait3A_535 = tpu.memref_slice %arg6[%dma_wait3A_532, %dma_wait3A_533, %dma_wait3A_534] : memref<3x512x64xf32, #tpu.memory_space<vmem>> -> memref<1x512x64xf32, #tpu.memory_space<vmem>>
      %dma_wait3A_536 = tpu.memref_squeeze %dma_wait3A_535 : memref<1x512x64xf32, #tpu.memory_space<vmem>> -> memref<512x64xf32, #tpu.memory_space<vmem>>
      %dma_wait3A_537 = arith.constant 0 : i32
      %dma_wait3A_538 = tpu.memref_slice %arg4[%mul3A_512, %dma_wait3A_537] : memref<3276800x64xf32, #tpu.memory_space<hbm>> -> memref<512x64xf32, #tpu.memory_space<hbm>>
      %dma_wait3A_539 = arith.constant 0 : i32
      %dma_wait3A_540 = tpu.memref_slice %arg4[%mul3A_512, %dma_wait3A_539] : memref<3276800x64xf32, #tpu.memory_space<hbm>> -> memref<512x64xf32, #tpu.memory_space<hbm>>
      %dma_wait3A_541 = arith.constant 0 : i32
      %dma_wait3A_542 = arith.constant 0 : i32
      %dma_wait3A_543 = tpu.memref_slice %arg6[%dma_wait3A_532, %dma_wait3A_541, %dma_wait3A_542] : memref<3x512x64xf32, #tpu.memory_space<vmem>> -> memref<1x512x64xf32, #tpu.memory_space<vmem>>
      %dma_wait3A_544 = tpu.memref_squeeze %dma_wait3A_543 : memref<1x512x64xf32, #tpu.memory_space<vmem>> -> memref<512x64xf32, #tpu.memory_space<vmem>>
      tpu.wait_dma2 semaphore(%arg11 : memref<!tpu.dma_semaphore, #tpu.memory_space<semaphore_mem>>) src(%dma_wait3A_544 : memref<512x64xf32, #tpu.memory_space<vmem>>) dst(%dma_wait3A_540 : memref<512x64xf32, #tpu.memory_space<hbm>>)
      %dma_start3A_545 = arith.constant 1 : i32
      %dma_start3A_546 = arith.constant 0 : i32
      %dma_start3A_547 = arith.constant 1 : i32
      %dma_start3A_548 = arith.constant 0 : i32
      %dma_start3A_549 = arith.constant 0 : i32
      %dma_start3A_550 = tpu.memref_slice %arg6[%dma_start3A_547, %dma_start3A_548, %dma_start3A_549] : memref<3x512x64xf32, #tpu.memory_space<vmem>> -> memref<1x128x64xf32, #tpu.memory_space<vmem>>
      %dma_start3A_551 = tpu.memref_squeeze %dma_start3A_550 : memref<1x128x64xf32, #tpu.memory_space<vmem>> -> memref<128x64xf32, #tpu.memory_space<vmem>>
      %dma_start3A_552 = arith.constant 0 : i32
      %dma_start3A_553 = tpu.memref_slice %arg5[%dma_start3A_545, %dma_start3A_546, %dma_start3A_552] : memref<3x4x128xi32, #tpu.memory_space<vmem>> -> memref<1x1x128xi32, #tpu.memory_space<vmem>>
      %dma_start3A_554 = tpu.memref_squeeze %dma_start3A_553 : memref<1x1x128xi32, #tpu.memory_space<vmem>> -> memref<128xi32, #tpu.memory_space<vmem>>
      %dma_start3A_555 = arith.constant 0 : i32
      %dma_start3A_556 = arith.constant 0 : i32
      %dma_start3A_557 = tpu.memref_slice %arg3[%dma_start3A_555, %dma_start3A_556] : memref<1000000x64xf32, #tpu.memory_space<hbm>> -> memref<1000000x64xf32, #tpu.memory_space<hbm>>
      tpu.enqueue_indirect_dma source(%dma_start3A_557 : memref<1000000x64xf32, #tpu.memory_space<hbm>>) target(%dma_start3A_551 : memref<128x64xf32, #tpu.memory_space<vmem>>) offsets(%dma_start3A_554 : memref<128xi32, #tpu.memory_space<vmem>>) semaphore(%arg8 : memref<!tpu.dma_semaphore, #tpu.memory_space<semaphore_mem>>)
      %dma_start3A_558 = arith.constant 1 : i32
      %dma_start3A_559 = arith.constant 1 : i32
      %dma_start3A_560 = arith.constant 1 : i32
      %dma_start3A_561 = arith.constant 128 : i32
      %dma_start3A_562 = arith.constant 0 : i32
      %dma_start3A_563 = tpu.memref_slice %arg6[%dma_start3A_560, %dma_start3A_561, %dma_start3A_562] : memref<3x512x64xf32, #tpu.memory_space<vmem>> -> memref<1x128x64xf32, #tpu.memory_space<vmem>>
      %dma_start3A_564 = tpu.memref_squeeze %dma_start3A_563 : memref<1x128x64xf32, #tpu.memory_space<vmem>> -> memref<128x64xf32, #tpu.memory_space<vmem>>
      %dma_start3A_565 = arith.constant 0 : i32
      %dma_start3A_566 = tpu.memref_slice %arg5[%dma_start3A_558, %dma_start3A_559, %dma_start3A_565] : memref<3x4x128xi32, #tpu.memory_space<vmem>> -> memref<1x1x128xi32, #tpu.memory_space<vmem>>
      %dma_start3A_567 = tpu.memref_squeeze %dma_start3A_566 : memref<1x1x128xi32, #tpu.memory_space<vmem>> -> memref<128xi32, #tpu.memory_space<vmem>>
      %dma_start3A_568 = arith.constant 0 : i32
      %dma_start3A_569 = arith.constant 0 : i32
      %dma_start3A_570 = tpu.memref_slice %arg3[%dma_start3A_568, %dma_start3A_569] : memref<1000000x64xf32, #tpu.memory_space<hbm>> -> memref<1000000x64xf32, #tpu.memory_space<hbm>>
      tpu.enqueue_indirect_dma source(%dma_start3A_570 : memref<1000000x64xf32, #tpu.memory_space<hbm>>) target(%dma_start3A_564 : memref<128x64xf32, #tpu.memory_space<vmem>>) offsets(%dma_start3A_567 : memref<128xi32, #tpu.memory_space<vmem>>) semaphore(%arg8 : memref<!tpu.dma_semaphore, #tpu.memory_space<semaphore_mem>>)
      %dma_start3A_571 = arith.constant 1 : i32
      %dma_start3A_572 = arith.constant 2 : i32
      %dma_start3A_573 = arith.constant 1 : i32
      %dma_start3A_574 = arith.constant 256 : i32
      %dma_start3A_575 = arith.constant 0 : i32
      %dma_start3A_576 = tpu.memref_slice %arg6[%dma_start3A_573, %dma_start3A_574, %dma_start3A_575] : memref<3x512x64xf32, #tpu.memory_space<vmem>> -> memref<1x128x64xf32, #tpu.memory_space<vmem>>
      %dma_start3A_577 = tpu.memref_squeeze %dma_start3A_576 : memref<1x128x64xf32, #tpu.memory_space<vmem>> -> memref<128x64xf32, #tpu.memory_space<vmem>>
      %dma_start3A_578 = arith.constant 0 : i32
      %dma_start3A_579 = tpu.memref_slice %arg5[%dma_start3A_571, %dma_start3A_572, %dma_start3A_578] : memref<3x4x128xi32, #tpu.memory_space<vmem>> -> memref<1x1x128xi32, #tpu.memory_space<vmem>>
      %dma_start3A_580 = tpu.memref_squeeze %dma_start3A_579 : memref<1x1x128xi32, #tpu.memory_space<vmem>> -> memref<128xi32, #tpu.memory_space<vmem>>
      %dma_start3A_581 = arith.constant 0 : i32
      %dma_start3A_582 = arith.constant 0 : i32
      %dma_start3A_583 = tpu.memref_slice %arg3[%dma_start3A_581, %dma_start3A_582] : memref<1000000x64xf32, #tpu.memory_space<hbm>> -> memref<1000000x64xf32, #tpu.memory_space<hbm>>
      tpu.enqueue_indirect_dma source(%dma_start3A_583 : memref<1000000x64xf32, #tpu.memory_space<hbm>>) target(%dma_start3A_577 : memref<128x64xf32, #tpu.memory_space<vmem>>) offsets(%dma_start3A_580 : memref<128xi32, #tpu.memory_space<vmem>>) semaphore(%arg8 : memref<!tpu.dma_semaphore, #tpu.memory_space<semaphore_mem>>)
      %dma_start3A_584 = arith.constant 1 : i32
      %dma_start3A_585 = arith.constant 3 : i32
      %dma_start3A_586 = arith.constant 1 : i32
      %dma_start3A_587 = arith.constant 384 : i32
      %dma_start3A_588 = arith.constant 0 : i32
      %dma_start3A_589 = tpu.memref_slice %arg6[%dma_start3A_586, %dma_start3A_587, %dma_start3A_588] : memref<3x512x64xf32, #tpu.memory_space<vmem>> -> memref<1x128x64xf32, #tpu.memory_space<vmem>>
      %dma_start3A_590 = tpu.memref_squeeze %dma_start3A_589 : memref<1x128x64xf32, #tpu.memory_space<vmem>> -> memref<128x64xf32, #tpu.memory_space<vmem>>
      %dma_start3A_591 = arith.constant 0 : i32
      %dma_start3A_592 = tpu.memref_slice %arg5[%dma_start3A_584, %dma_start3A_585, %dma_start3A_591] : memref<3x4x128xi32, #tpu.memory_space<vmem>> -> memref<1x1x128xi32, #tpu.memory_space<vmem>>
      %dma_start3A_593 = tpu.memref_squeeze %dma_start3A_592 : memref<1x1x128xi32, #tpu.memory_space<vmem>> -> memref<128xi32, #tpu.memory_space<vmem>>
      %dma_start3A_594 = arith.constant 0 : i32
      %dma_start3A_595 = arith.constant 0 : i32
      %dma_start3A_596 = tpu.memref_slice %arg3[%dma_start3A_594, %dma_start3A_595] : memref<1000000x64xf32, #tpu.memory_space<hbm>> -> memref<1000000x64xf32, #tpu.memory_space<hbm>>
      tpu.enqueue_indirect_dma source(%dma_start3A_596 : memref<1000000x64xf32, #tpu.memory_space<hbm>>) target(%dma_start3A_590 : memref<128x64xf32, #tpu.memory_space<vmem>>) offsets(%dma_start3A_593 : memref<128xi32, #tpu.memory_space<vmem>>) semaphore(%arg8 : memref<!tpu.dma_semaphore, #tpu.memory_space<semaphore_mem>>)
      %mul3A_597 = arith.constant 3 : i32
      %mul3A_598 = arith.muli %scan3A_380, %mul3A_597 : i32
      %add3A_599 = arith.constant 2 : i32
      %add3A_600 = arith.addi %mul3A_598, %add3A_599 : i32
      %dma_wait3A_601 = arith.constant 2 : i32
      %dma_wait3A_602 = arith.constant 0 : i32
      %dma_wait3A_603 = arith.constant 0 : i32
      %dma_wait3A_604 = tpu.memref_slice %arg6[%dma_wait3A_601, %dma_wait3A_602, %dma_wait3A_603] : memref<3x512x64xf32, #tpu.memory_space<vmem>> -> memref<1x512x64xf32, #tpu.memory_space<vmem>>
      %dma_wait3A_605 = tpu.memref_squeeze %dma_wait3A_604 : memref<1x512x64xf32, #tpu.memory_space<vmem>> -> memref<512x64xf32, #tpu.memory_space<vmem>>
      %dma_wait3A_606 = arith.constant 0 : i32
      %dma_wait3A_607 = arith.constant 0 : i32
      %dma_wait3A_608 = tpu.memref_slice %arg3[%dma_wait3A_606, %dma_wait3A_607] : memref<1000000x64xf32, #tpu.memory_space<hbm>> -> memref<512x64xf32, #tpu.memory_space<hbm>>
      %dma_wait3A_609 = arith.constant 0 : i32
      %dma_wait3A_610 = arith.constant 0 : i32
      %dma_wait3A_611 = tpu.memref_slice %arg6[%dma_wait3A_601, %dma_wait3A_609, %dma_wait3A_610] : memref<3x512x64xf32, #tpu.memory_space<vmem>> -> memref<1x512x64xf32, #tpu.memory_space<vmem>>
      %dma_wait3A_612 = tpu.memref_squeeze %dma_wait3A_611 : memref<1x512x64xf32, #tpu.memory_space<vmem>> -> memref<512x64xf32, #tpu.memory_space<vmem>>
      %dma_wait3A_613 = arith.constant 0 : i32
      %dma_wait3A_614 = arith.constant 0 : i32
      %dma_wait3A_615 = tpu.memref_slice %arg3[%dma_wait3A_613, %dma_wait3A_614] : memref<1000000x64xf32, #tpu.memory_space<hbm>> -> memref<512x64xf32, #tpu.memory_space<hbm>>
      tpu.wait_dma2 semaphore(%arg9 : memref<!tpu.dma_semaphore, #tpu.memory_space<semaphore_mem>>) src(%dma_wait3A_615 : memref<512x64xf32, #tpu.memory_space<hbm>>) dst(%dma_wait3A_612 : memref<512x64xf32, #tpu.memory_space<vmem>>)
      %mul3A_616 = arith.constant 4 : i32
      %mul3A_617 = arith.muli %add3A_600, %mul3A_616 : i32
      %add3A_618 = arith.addi %mul3A_2, %mul3A_617 : i32
      %mul3A_619 = arith.constant 128 : i32
      %mul3A_620 = arith.muli %add3A_618, %mul3A_619 : i32
      %dma_start3A_621 = arith.constant 2 : i32
      %dma_start3A_622 = arith.constant 0 : i32
      %dma_start3A_623 = arith.constant 0 : i32
      %dma_start3A_624 = tpu.memref_slice %arg6[%dma_start3A_621, %dma_start3A_622, %dma_start3A_623] : memref<3x512x64xf32, #tpu.memory_space<vmem>> -> memref<1x512x64xf32, #tpu.memory_space<vmem>>
      %dma_start3A_625 = tpu.memref_squeeze %dma_start3A_624 : memref<1x512x64xf32, #tpu.memory_space<vmem>> -> memref<512x64xf32, #tpu.memory_space<vmem>>
      %dma_start3A_626 = arith.constant 0 : i32
      %dma_start3A_627 = tpu.memref_slice %arg4[%mul3A_620, %dma_start3A_626] : memref<3276800x64xf32, #tpu.memory_space<hbm>> -> memref<512x64xf32, #tpu.memory_space<hbm>>
      %dma_start3A_628 = arith.constant 0 : i32
      %dma_start3A_629 = tpu.memref_slice %arg4[%mul3A_620, %dma_start3A_628] : memref<3276800x64xf32, #tpu.memory_space<hbm>> -> memref<512x64xf32, #tpu.memory_space<hbm>>
      %dma_start3A_630 = arith.constant 0 : i32
      %dma_start3A_631 = arith.constant 0 : i32
      %dma_start3A_632 = tpu.memref_slice %arg6[%dma_start3A_621, %dma_start3A_630, %dma_start3A_631] : memref<3x512x64xf32, #tpu.memory_space<vmem>> -> memref<1x512x64xf32, #tpu.memory_space<vmem>>
      %dma_start3A_633 = tpu.memref_squeeze %dma_start3A_632 : memref<1x512x64xf32, #tpu.memory_space<vmem>> -> memref<512x64xf32, #tpu.memory_space<vmem>>
      tpu.enqueue_dma source(%dma_start3A_633 : memref<512x64xf32, #tpu.memory_space<vmem>>) target(%dma_start3A_629 : memref<512x64xf32, #tpu.memory_space<hbm>>) target_semaphore(%arg12 : memref<!tpu.dma_semaphore, #tpu.memory_space<semaphore_mem>>)
      %add3A_634 = arith.constant 3 : i32
      %add3A_635 = arith.addi %add3A_600, %add3A_634 : i32
      %mul3A_636 = arith.constant 4 : i32
      %mul3A_637 = arith.muli %add3A_635, %mul3A_636 : i32
      %add3A_638 = arith.addi %mul3A_2, %mul3A_637 : i32
      %run_scoped3A_639 = arith.constant 2 : i32
      "tpu.region"() ({
        %run_scoped3A_705 = tpu.sem_alloc : memref<!tpu.dma_semaphore, #tpu.memory_space<semaphore_mem>>
        %dma_start3A_706 = arith.constant 0 : i32
        %dma_start3A_707 = arith.constant 0 : i32
        %dma_start3A_708 = tpu.memref_slice %arg5[%run_scoped3A_639, %dma_start3A_706, %dma_start3A_707] : memref<3x4x128xi32, #tpu.memory_space<vmem>> -> memref<1x4x128xi32, #tpu.memory_space<vmem>>
        %dma_start3A_709 = tpu.memref_squeeze %dma_start3A_708 : memref<1x4x128xi32, #tpu.memory_space<vmem>> -> memref<4x128xi32, #tpu.memory_space<vmem>>
        %dma_start3A_710 = arith.constant 0 : i32
        %dma_start3A_711 = tpu.memref_slice %arg2[%add3A_638, %dma_start3A_710] : memref<25600x128xi32, #tpu.memory_space<hbm>> -> memref<4x128xi32, #tpu.memory_space<hbm>>
        %dma_start3A_712 = arith.constant 0 : i32
        %dma_start3A_713 = arith.constant 0 : i32
        %dma_start3A_714 = tpu.memref_slice %arg5[%run_scoped3A_639, %dma_start3A_712, %dma_start3A_713] : memref<3x4x128xi32, #tpu.memory_space<vmem>> -> memref<1x4x128xi32, #tpu.memory_space<vmem>>
        %dma_start3A_715 = tpu.memref_squeeze %dma_start3A_714 : memref<1x4x128xi32, #tpu.memory_space<vmem>> -> memref<4x128xi32, #tpu.memory_space<vmem>>
        %dma_start3A_716 = arith.constant 0 : i32
        %dma_start3A_717 = tpu.memref_slice %arg2[%add3A_638, %dma_start3A_716] : memref<25600x128xi32, #tpu.memory_space<hbm>> -> memref<4x128xi32, #tpu.memory_space<hbm>>
        tpu.enqueue_dma source(%dma_start3A_717 : memref<4x128xi32, #tpu.memory_space<hbm>>) target(%dma_start3A_715 : memref<4x128xi32, #tpu.memory_space<vmem>>) target_semaphore(%run_scoped3A_705 : memref<!tpu.dma_semaphore, #tpu.memory_space<semaphore_mem>>)
        %dma_wait3A_718 = arith.constant 0 : i32
        %dma_wait3A_719 = arith.constant 0 : i32
        %dma_wait3A_720 = tpu.memref_slice %arg5[%run_scoped3A_639, %dma_wait3A_718, %dma_wait3A_719] : memref<3x4x128xi32, #tpu.memory_space<vmem>> -> memref<1x4x128xi32, #tpu.memory_space<vmem>>
        %dma_wait3A_721 = tpu.memref_squeeze %dma_wait3A_720 : memref<1x4x128xi32, #tpu.memory_space<vmem>> -> memref<4x128xi32, #tpu.memory_space<vmem>>
        %dma_wait3A_722 = arith.constant 0 : i32
        %dma_wait3A_723 = tpu.memref_slice %arg2[%add3A_638, %dma_wait3A_722] : memref<25600x128xi32, #tpu.memory_space<hbm>> -> memref<4x128xi32, #tpu.memory_space<hbm>>
        %dma_wait3A_724 = arith.constant 0 : i32
        %dma_wait3A_725 = arith.constant 0 : i32
        %dma_wait3A_726 = tpu.memref_slice %arg5[%run_scoped3A_639, %dma_wait3A_724, %dma_wait3A_725] : memref<3x4x128xi32, #tpu.memory_space<vmem>> -> memref<1x4x128xi32, #tpu.memory_space<vmem>>
        %dma_wait3A_727 = tpu.memref_squeeze %dma_wait3A_726 : memref<1x4x128xi32, #tpu.memory_space<vmem>> -> memref<4x128xi32, #tpu.memory_space<vmem>>
        %dma_wait3A_728 = arith.constant 0 : i32
        %dma_wait3A_729 = tpu.memref_slice %arg2[%add3A_638, %dma_wait3A_728] : memref<25600x128xi32, #tpu.memory_space<hbm>> -> memref<4x128xi32, #tpu.memory_space<hbm>>
        tpu.wait_dma2 semaphore(%run_scoped3A_705 : memref<!tpu.dma_semaphore, #tpu.memory_space<semaphore_mem>>) src(%dma_wait3A_729 : memref<4x128xi32, #tpu.memory_space<hbm>>) dst(%dma_wait3A_727 : memref<4x128xi32, #tpu.memory_space<vmem>>)
        tpu.yield
      }) : () -> ()
      %dma_wait3A_640 = arith.constant 2 : i32
      %dma_wait3A_641 = arith.constant 0 : i32
      %dma_wait3A_642 = arith.constant 0 : i32
      %dma_wait3A_643 = tpu.memref_slice %arg6[%dma_wait3A_640, %dma_wait3A_641, %dma_wait3A_642] : memref<3x512x64xf32, #tpu.memory_space<vmem>> -> memref<1x512x64xf32, #tpu.memory_space<vmem>>
      %dma_wait3A_644 = tpu.memref_squeeze %dma_wait3A_643 : memref<1x512x64xf32, #tpu.memory_space<vmem>> -> memref<512x64xf32, #tpu.memory_space<vmem>>
      %dma_wait3A_645 = arith.constant 0 : i32
      %dma_wait3A_646 = tpu.memref_slice %arg4[%mul3A_620, %dma_wait3A_645] : memref<3276800x64xf32, #tpu.memory_space<hbm>> -> memref<512x64xf32, #tpu.memory_space<hbm>>
      %dma_wait3A_647 = arith.constant 0 : i32
      %dma_wait3A_648 = tpu.memref_slice %arg4[%mul3A_620, %dma_wait3A_647] : memref<3276800x64xf32, #tpu.memory_space<hbm>> -> memref<512x64xf32, #tpu.memory_space<hbm>>
      %dma_wait3A_649 = arith.constant 0 : i32
      %dma_wait3A_650 = arith.constant 0 : i32
      %dma_wait3A_651 = tpu.memref_slice %arg6[%dma_wait3A_640, %dma_wait3A_649, %dma_wait3A_650] : memref<3x512x64xf32, #tpu.memory_space<vmem>> -> memref<1x512x64xf32, #tpu.memory_space<vmem>>
      %dma_wait3A_652 = tpu.memref_squeeze %dma_wait3A_651 : memref<1x512x64xf32, #tpu.memory_space<vmem>> -> memref<512x64xf32, #tpu.memory_space<vmem>>
      tpu.wait_dma2 semaphore(%arg12 : memref<!tpu.dma_semaphore, #tpu.memory_space<semaphore_mem>>) src(%dma_wait3A_652 : memref<512x64xf32, #tpu.memory_space<vmem>>) dst(%dma_wait3A_648 : memref<512x64xf32, #tpu.memory_space<hbm>>)
      %dma_start3A_653 = arith.constant 2 : i32
      %dma_start3A_654 = arith.constant 0 : i32
      %dma_start3A_655 = arith.constant 2 : i32
      %dma_start3A_656 = arith.constant 0 : i32
      %dma_start3A_657 = arith.constant 0 : i32
      %dma_start3A_658 = tpu.memref_slice %arg6[%dma_start3A_655, %dma_start3A_656, %dma_start3A_657] : memref<3x512x64xf32, #tpu.memory_space<vmem>> -> memref<1x128x64xf32, #tpu.memory_space<vmem>>
      %dma_start3A_659 = tpu.memref_squeeze %dma_start3A_658 : memref<1x128x64xf32, #tpu.memory_space<vmem>> -> memref<128x64xf32, #tpu.memory_space<vmem>>
      %dma_start3A_660 = arith.constant 0 : i32
      %dma_start3A_661 = tpu.memref_slice %arg5[%dma_start3A_653, %dma_start3A_654, %dma_start3A_660] : memref<3x4x128xi32, #tpu.memory_space<vmem>> -> memref<1x1x128xi32, #tpu.memory_space<vmem>>
      %dma_start3A_662 = tpu.memref_squeeze %dma_start3A_661 : memref<1x1x128xi32, #tpu.memory_space<vmem>> -> memref<128xi32, #tpu.memory_space<vmem>>
      %dma_start3A_663 = arith.constant 0 : i32
      %dma_start3A_664 = arith.constant 0 : i32
      %dma_start3A_665 = tpu.memref_slice %arg3[%dma_start3A_663, %dma_start3A_664] : memref<1000000x64xf32, #tpu.memory_space<hbm>> -> memref<1000000x64xf32, #tpu.memory_space<hbm>>
      tpu.enqueue_indirect_dma source(%dma_start3A_665 : memref<1000000x64xf32, #tpu.memory_space<hbm>>) target(%dma_start3A_659 : memref<128x64xf32, #tpu.memory_space<vmem>>) offsets(%dma_start3A_662 : memref<128xi32, #tpu.memory_space<vmem>>) semaphore(%arg9 : memref<!tpu.dma_semaphore, #tpu.memory_space<semaphore_mem>>)
      %dma_start3A_666 = arith.constant 2 : i32
      %dma_start3A_667 = arith.constant 1 : i32
      %dma_start3A_668 = arith.constant 2 : i32
      %dma_start3A_669 = arith.constant 128 : i32
      %dma_start3A_670 = arith.constant 0 : i32
      %dma_start3A_671 = tpu.memref_slice %arg6[%dma_start3A_668, %dma_start3A_669, %dma_start3A_670] : memref<3x512x64xf32, #tpu.memory_space<vmem>> -> memref<1x128x64xf32, #tpu.memory_space<vmem>>
      %dma_start3A_672 = tpu.memref_squeeze %dma_start3A_671 : memref<1x128x64xf32, #tpu.memory_space<vmem>> -> memref<128x64xf32, #tpu.memory_space<vmem>>
      %dma_start3A_673 = arith.constant 0 : i32
      %dma_start3A_674 = tpu.memref_slice %arg5[%dma_start3A_666, %dma_start3A_667, %dma_start3A_673] : memref<3x4x128xi32, #tpu.memory_space<vmem>> -> memref<1x1x128xi32, #tpu.memory_space<vmem>>
      %dma_start3A_675 = tpu.memref_squeeze %dma_start3A_674 : memref<1x1x128xi32, #tpu.memory_space<vmem>> -> memref<128xi32, #tpu.memory_space<vmem>>
      %dma_start3A_676 = arith.constant 0 : i32
      %dma_start3A_677 = arith.constant 0 : i32
      %dma_start3A_678 = tpu.memref_slice %arg3[%dma_start3A_676, %dma_start3A_677] : memref<1000000x64xf32, #tpu.memory_space<hbm>> -> memref<1000000x64xf32, #tpu.memory_space<hbm>>
      tpu.enqueue_indirect_dma source(%dma_start3A_678 : memref<1000000x64xf32, #tpu.memory_space<hbm>>) target(%dma_start3A_672 : memref<128x64xf32, #tpu.memory_space<vmem>>) offsets(%dma_start3A_675 : memref<128xi32, #tpu.memory_space<vmem>>) semaphore(%arg9 : memref<!tpu.dma_semaphore, #tpu.memory_space<semaphore_mem>>)
      %dma_start3A_679 = arith.constant 2 : i32
      %dma_start3A_680 = arith.constant 2 : i32
      %dma_start3A_681 = arith.constant 2 : i32
      %dma_start3A_682 = arith.constant 256 : i32
      %dma_start3A_683 = arith.constant 0 : i32
      %dma_start3A_684 = tpu.memref_slice %arg6[%dma_start3A_681, %dma_start3A_682, %dma_start3A_683] : memref<3x512x64xf32, #tpu.memory_space<vmem>> -> memref<1x128x64xf32, #tpu.memory_space<vmem>>
      %dma_start3A_685 = tpu.memref_squeeze %dma_start3A_684 : memref<1x128x64xf32, #tpu.memory_space<vmem>> -> memref<128x64xf32, #tpu.memory_space<vmem>>
      %dma_start3A_686 = arith.constant 0 : i32
      %dma_start3A_687 = tpu.memref_slice %arg5[%dma_start3A_679, %dma_start3A_680, %dma_start3A_686] : memref<3x4x128xi32, #tpu.memory_space<vmem>> -> memref<1x1x128xi32, #tpu.memory_space<vmem>>
      %dma_start3A_688 = tpu.memref_squeeze %dma_start3A_687 : memref<1x1x128xi32, #tpu.memory_space<vmem>> -> memref<128xi32, #tpu.memory_space<vmem>>
      %dma_start3A_689 = arith.constant 0 : i32
      %dma_start3A_690 = arith.constant 0 : i32
      %dma_start3A_691 = tpu.memref_slice %arg3[%dma_start3A_689, %dma_start3A_690] : memref<1000000x64xf32, #tpu.memory_space<hbm>> -> memref<1000000x64xf32, #tpu.memory_space<hbm>>
      tpu.enqueue_indirect_dma source(%dma_start3A_691 : memref<1000000x64xf32, #tpu.memory_space<hbm>>) target(%dma_start3A_685 : memref<128x64xf32, #tpu.memory_space<vmem>>) offsets(%dma_start3A_688 : memref<128xi32, #tpu.memory_space<vmem>>) semaphore(%arg9 : memref<!tpu.dma_semaphore, #tpu.memory_space<semaphore_mem>>)
      %dma_start3A_692 = arith.constant 2 : i32
      %dma_start3A_693 = arith.constant 3 : i32
      %dma_start3A_694 = arith.constant 2 : i32
      %dma_start3A_695 = arith.constant 384 : i32
      %dma_start3A_696 = arith.constant 0 : i32
      %dma_start3A_697 = tpu.memref_slice %arg6[%dma_start3A_694, %dma_start3A_695, %dma_start3A_696] : memref<3x512x64xf32, #tpu.memory_space<vmem>> -> memref<1x128x64xf32, #tpu.memory_space<vmem>>
      %dma_start3A_698 = tpu.memref_squeeze %dma_start3A_697 : memref<1x128x64xf32, #tpu.memory_space<vmem>> -> memref<128x64xf32, #tpu.memory_space<vmem>>
      %dma_start3A_699 = arith.constant 0 : i32
      %dma_start3A_700 = tpu.memref_slice %arg5[%dma_start3A_692, %dma_start3A_693, %dma_start3A_699] : memref<3x4x128xi32, #tpu.memory_space<vmem>> -> memref<1x1x128xi32, #tpu.memory_space<vmem>>
      %dma_start3A_701 = tpu.memref_squeeze %dma_start3A_700 : memref<1x1x128xi32, #tpu.memory_space<vmem>> -> memref<128xi32, #tpu.memory_space<vmem>>
      %dma_start3A_702 = arith.constant 0 : i32
      %dma_start3A_703 = arith.constant 0 : i32
      %dma_start3A_704 = tpu.memref_slice %arg3[%dma_start3A_702, %dma_start3A_703] : memref<1000000x64xf32, #tpu.memory_space<hbm>> -> memref<1000000x64xf32, #tpu.memory_space<hbm>>
      tpu.enqueue_indirect_dma source(%dma_start3A_704 : memref<1000000x64xf32, #tpu.memory_space<hbm>>) target(%dma_start3A_698 : memref<128x64xf32, #tpu.memory_space<vmem>>) offsets(%dma_start3A_701 : memref<128xi32, #tpu.memory_space<vmem>>) semaphore(%arg9 : memref<!tpu.dma_semaphore, #tpu.memory_space<semaphore_mem>>)
    }
    %scan3A_170 = arith.constant 65 : i32
    %dma_wait3A = arith.constant 0 : i32
    %dma_wait3A_171 = arith.constant 0 : i32
    %dma_wait3A_172 = arith.constant 0 : i32
    %dma_wait3A_173 = tpu.memref_slice %arg6[%dma_wait3A, %dma_wait3A_171, %dma_wait3A_172] : memref<3x512x64xf32, #tpu.memory_space<vmem>> -> memref<1x512x64xf32, #tpu.memory_space<vmem>>
    %dma_wait3A_174 = tpu.memref_squeeze %dma_wait3A_173 : memref<1x512x64xf32, #tpu.memory_space<vmem>> -> memref<512x64xf32, #tpu.memory_space<vmem>>
    %dma_wait3A_175 = arith.constant 0 : i32
    %dma_wait3A_176 = arith.constant 0 : i32
    %dma_wait3A_177 = tpu.memref_slice %arg3[%dma_wait3A_175, %dma_wait3A_176] : memref<1000000x64xf32, #tpu.memory_space<hbm>> -> memref<512x64xf32, #tpu.memory_space<hbm>>
    %dma_wait3A_178 = arith.constant 0 : i32
    %dma_wait3A_179 = arith.constant 0 : i32
    %dma_wait3A_180 = tpu.memref_slice %arg6[%dma_wait3A, %dma_wait3A_178, %dma_wait3A_179] : memref<3x512x64xf32, #tpu.memory_space<vmem>> -> memref<1x512x64xf32, #tpu.memory_space<vmem>>
    %dma_wait3A_181 = tpu.memref_squeeze %dma_wait3A_180 : memref<1x512x64xf32, #tpu.memory_space<vmem>> -> memref<512x64xf32, #tpu.memory_space<vmem>>
    %dma_wait3A_182 = arith.constant 0 : i32
    %dma_wait3A_183 = arith.constant 0 : i32
    %dma_wait3A_184 = tpu.memref_slice %arg3[%dma_wait3A_182, %dma_wait3A_183] : memref<1000000x64xf32, #tpu.memory_space<hbm>> -> memref<512x64xf32, #tpu.memory_space<hbm>>
    tpu.wait_dma2 semaphore(%arg7 : memref<!tpu.dma_semaphore, #tpu.memory_space<semaphore_mem>>) src(%dma_wait3A_184 : memref<512x64xf32, #tpu.memory_space<hbm>>) dst(%dma_wait3A_181 : memref<512x64xf32, #tpu.memory_space<vmem>>)
    %add3A_185 = arith.constant 780 : i32
    %add3A_186 = arith.addi %mul3A_2, %add3A_185 : i32
    %mul3A_187 = arith.constant 128 : i32
    %mul3A_188 = arith.muli %add3A_186, %mul3A_187 : i32
    %run_scoped3A_189 = arith.constant 0 : i32
    "tpu.region"() ({
      %run_scoped3A_380 = tpu.sem_alloc : memref<!tpu.dma_semaphore, #tpu.memory_space<semaphore_mem>>
      %dma_start3A_381 = arith.constant 0 : i32
      %dma_start3A_382 = arith.constant 0 : i32
      %dma_start3A_383 = tpu.memref_slice %arg6[%run_scoped3A_189, %dma_start3A_381, %dma_start3A_382] : memref<3x512x64xf32, #tpu.memory_space<vmem>> -> memref<1x512x64xf32, #tpu.memory_space<vmem>>
      %dma_start3A_384 = tpu.memref_squeeze %dma_start3A_383 : memref<1x512x64xf32, #tpu.memory_space<vmem>> -> memref<512x64xf32, #tpu.memory_space<vmem>>
      %dma_start3A_385 = arith.constant 0 : i32
      %dma_start3A_386 = tpu.memref_slice %arg4[%mul3A_188, %dma_start3A_385] : memref<3276800x64xf32, #tpu.memory_space<hbm>> -> memref<512x64xf32, #tpu.memory_space<hbm>>
      %dma_start3A_387 = arith.constant 0 : i32
      %dma_start3A_388 = tpu.memref_slice %arg4[%mul3A_188, %dma_start3A_387] : memref<3276800x64xf32, #tpu.memory_space<hbm>> -> memref<512x64xf32, #tpu.memory_space<hbm>>
      %dma_start3A_389 = arith.constant 0 : i32
      %dma_start3A_390 = arith.constant 0 : i32
      %dma_start3A_391 = tpu.memref_slice %arg6[%run_scoped3A_189, %dma_start3A_389, %dma_start3A_390] : memref<3x512x64xf32, #tpu.memory_space<vmem>> -> memref<1x512x64xf32, #tpu.memory_space<vmem>>
      %dma_start3A_392 = tpu.memref_squeeze %dma_start3A_391 : memref<1x512x64xf32, #tpu.memory_space<vmem>> -> memref<512x64xf32, #tpu.memory_space<vmem>>
      tpu.enqueue_dma source(%dma_start3A_392 : memref<512x64xf32, #tpu.memory_space<vmem>>) target(%dma_start3A_388 : memref<512x64xf32, #tpu.memory_space<hbm>>) target_semaphore(%run_scoped3A_380 : memref<!tpu.dma_semaphore, #tpu.memory_space<semaphore_mem>>)
      %dma_wait3A_393 = arith.constant 0 : i32
      %dma_wait3A_394 = arith.constant 0 : i32
      %dma_wait3A_395 = tpu.memref_slice %arg6[%run_scoped3A_189, %dma_wait3A_393, %dma_wait3A_394] : memref<3x512x64xf32, #tpu.memory_space<vmem>> -> memref<1x512x64xf32, #tpu.memory_space<vmem>>
      %dma_wait3A_396 = tpu.memref_squeeze %dma_wait3A_395 : memref<1x512x64xf32, #tpu.memory_space<vmem>> -> memref<512x64xf32, #tpu.memory_space<vmem>>
      %dma_wait3A_397 = arith.constant 0 : i32
      %dma_wait3A_398 = tpu.memref_slice %arg4[%mul3A_188, %dma_wait3A_397] : memref<3276800x64xf32, #tpu.memory_space<hbm>> -> memref<512x64xf32, #tpu.memory_space<hbm>>
      %dma_wait3A_399 = arith.constant 0 : i32
      %dma_wait3A_400 = tpu.memref_slice %arg4[%mul3A_188, %dma_wait3A_399] : memref<3276800x64xf32, #tpu.memory_space<hbm>> -> memref<512x64xf32, #tpu.memory_space<hbm>>
      %dma_wait3A_401 = arith.constant 0 : i32
      %dma_wait3A_402 = arith.constant 0 : i32
      %dma_wait3A_403 = tpu.memref_slice %arg6[%run_scoped3A_189, %dma_wait3A_401, %dma_wait3A_402] : memref<3x512x64xf32, #tpu.memory_space<vmem>> -> memref<1x512x64xf32, #tpu.memory_space<vmem>>
      %dma_wait3A_404 = tpu.memref_squeeze %dma_wait3A_403 : memref<1x512x64xf32, #tpu.memory_space<vmem>> -> memref<512x64xf32, #tpu.memory_space<vmem>>
      tpu.wait_dma2 semaphore(%run_scoped3A_380 : memref<!tpu.dma_semaphore, #tpu.memory_space<semaphore_mem>>) src(%dma_wait3A_404 : memref<512x64xf32, #tpu.memory_space<vmem>>) dst(%dma_wait3A_400 : memref<512x64xf32, #tpu.memory_space<hbm>>)
      tpu.yield
    }) : () -> ()
    %dma_wait3A_190 = arith.constant 1 : i32
    %dma_wait3A_191 = arith.constant 0 : i32
    %dma_wait3A_192 = arith.constant 0 : i32
    %dma_wait3A_193 = tpu.memref_slice %arg6[%dma_wait3A_190, %dma_wait3A_191, %dma_wait3A_192] : memref<3x512x64xf32, #tpu.memory_space<vmem>> -> memref<1x512x64xf32, #tpu.memory_space<vmem>>
    %dma_wait3A_194 = tpu.memref_squeeze %dma_wait3A_193 : memref<1x512x64xf32, #tpu.memory_space<vmem>> -> memref<512x64xf32, #tpu.memory_space<vmem>>
    %dma_wait3A_195 = arith.constant 0 : i32
    %dma_wait3A_196 = arith.constant 0 : i32
    %dma_wait3A_197 = tpu.memref_slice %arg3[%dma_wait3A_195, %dma_wait3A_196] : memref<1000000x64xf32, #tpu.memory_space<hbm>> -> memref<512x64xf32, #tpu.memory_space<hbm>>
    %dma_wait3A_198 = arith.constant 0 : i32
    %dma_wait3A_199 = arith.constant 0 : i32
    %dma_wait3A_200 = tpu.memref_slice %arg6[%dma_wait3A_190, %dma_wait3A_198, %dma_wait3A_199] : memref<3x512x64xf32, #tpu.memory_space<vmem>> -> memref<1x512x64xf32, #tpu.memory_space<vmem>>
    %dma_wait3A_201 = tpu.memref_squeeze %dma_wait3A_200 : memref<1x512x64xf32, #tpu.memory_space<vmem>> -> memref<512x64xf32, #tpu.memory_space<vmem>>
    %dma_wait3A_202 = arith.constant 0 : i32
    %dma_wait3A_203 = arith.constant 0 : i32
    %dma_wait3A_204 = tpu.memref_slice %arg3[%dma_wait3A_202, %dma_wait3A_203] : memref<1000000x64xf32, #tpu.memory_space<hbm>> -> memref<512x64xf32, #tpu.memory_space<hbm>>
    tpu.wait_dma2 semaphore(%arg8 : memref<!tpu.dma_semaphore, #tpu.memory_space<semaphore_mem>>) src(%dma_wait3A_204 : memref<512x64xf32, #tpu.memory_space<hbm>>) dst(%dma_wait3A_201 : memref<512x64xf32, #tpu.memory_space<vmem>>)
    %add3A_205 = arith.constant 784 : i32
    %add3A_206 = arith.addi %mul3A_2, %add3A_205 : i32
    %mul3A_207 = arith.constant 128 : i32
    %mul3A_208 = arith.muli %add3A_206, %mul3A_207 : i32
    %run_scoped3A_209 = arith.constant 1 : i32
    "tpu.region"() ({
      %run_scoped3A_380 = tpu.sem_alloc : memref<!tpu.dma_semaphore, #tpu.memory_space<semaphore_mem>>
      %dma_start3A_381 = arith.constant 0 : i32
      %dma_start3A_382 = arith.constant 0 : i32
      %dma_start3A_383 = tpu.memref_slice %arg6[%run_scoped3A_209, %dma_start3A_381, %dma_start3A_382] : memref<3x512x64xf32, #tpu.memory_space<vmem>> -> memref<1x512x64xf32, #tpu.memory_space<vmem>>
      %dma_start3A_384 = tpu.memref_squeeze %dma_start3A_383 : memref<1x512x64xf32, #tpu.memory_space<vmem>> -> memref<512x64xf32, #tpu.memory_space<vmem>>
      %dma_start3A_385 = arith.constant 0 : i32
      %dma_start3A_386 = tpu.memref_slice %arg4[%mul3A_208, %dma_start3A_385] : memref<3276800x64xf32, #tpu.memory_space<hbm>> -> memref<512x64xf32, #tpu.memory_space<hbm>>
      %dma_start3A_387 = arith.constant 0 : i32
      %dma_start3A_388 = tpu.memref_slice %arg4[%mul3A_208, %dma_start3A_387] : memref<3276800x64xf32, #tpu.memory_space<hbm>> -> memref<512x64xf32, #tpu.memory_space<hbm>>
      %dma_start3A_389 = arith.constant 0 : i32
      %dma_start3A_390 = arith.constant 0 : i32
      %dma_start3A_391 = tpu.memref_slice %arg6[%run_scoped3A_209, %dma_start3A_389, %dma_start3A_390] : memref<3x512x64xf32, #tpu.memory_space<vmem>> -> memref<1x512x64xf32, #tpu.memory_space<vmem>>
      %dma_start3A_392 = tpu.memref_squeeze %dma_start3A_391 : memref<1x512x64xf32, #tpu.memory_space<vmem>> -> memref<512x64xf32, #tpu.memory_space<vmem>>
      tpu.enqueue_dma source(%dma_start3A_392 : memref<512x64xf32, #tpu.memory_space<vmem>>) target(%dma_start3A_388 : memref<512x64xf32, #tpu.memory_space<hbm>>) target_semaphore(%run_scoped3A_380 : memref<!tpu.dma_semaphore, #tpu.memory_space<semaphore_mem>>)
      %dma_wait3A_393 = arith.constant 0 : i32
      %dma_wait3A_394 = arith.constant 0 : i32
      %dma_wait3A_395 = tpu.memref_slice %arg6[%run_scoped3A_209, %dma_wait3A_393, %dma_wait3A_394] : memref<3x512x64xf32, #tpu.memory_space<vmem>> -> memref<1x512x64xf32, #tpu.memory_space<vmem>>
      %dma_wait3A_396 = tpu.memref_squeeze %dma_wait3A_395 : memref<1x512x64xf32, #tpu.memory_space<vmem>> -> memref<512x64xf32, #tpu.memory_space<vmem>>
      %dma_wait3A_397 = arith.constant 0 : i32
      %dma_wait3A_398 = tpu.memref_slice %arg4[%mul3A_208, %dma_wait3A_397] : memref<3276800x64xf32, #tpu.memory_space<hbm>> -> memref<512x64xf32, #tpu.memory_space<hbm>>
      %dma_wait3A_399 = arith.constant 0 : i32
      %dma_wait3A_400 = tpu.memref_slice %arg4[%mul3A_208, %dma_wait3A_399] : memref<3276800x64xf32, #tpu.memory_space<hbm>> -> memref<512x64xf32, #tpu.memory_space<hbm>>
      %dma_wait3A_401 = arith.constant 0 : i32
      %dma_wait3A_402 = arith.constant 0 : i32
      %dma_wait3A_403 = tpu.memref_slice %arg6[%run_scoped3A_209, %dma_wait3A_401, %dma_wait3A_402] : memref<3x512x64xf32, #tpu.memory_space<vmem>> -> memref<1x512x64xf32, #tpu.memory_space<vmem>>
      %dma_wait3A_404 = tpu.memref_squeeze %dma_wait3A_403 : memref<1x512x64xf32, #tpu.memory_space<vmem>> -> memref<512x64xf32, #tpu.memory_space<vmem>>
      tpu.wait_dma2 semaphore(%run_scoped3A_380 : memref<!tpu.dma_semaphore, #tpu.memory_space<semaphore_mem>>) src(%dma_wait3A_404 : memref<512x64xf32, #tpu.memory_space<vmem>>) dst(%dma_wait3A_400 : memref<512x64xf32, #tpu.memory_space<hbm>>)
      tpu.yield
    }) : () -> ()
    %dma_wait3A_210 = arith.constant 2 : i32
    %dma_wait3A_211 = arith.constant 0 : i32
    %dma_wait3A_212 = arith.constant 0 : i32
    %dma_wait3A_213 = tpu.memref_slice %arg6[%dma_wait3A_210, %dma_wait3A_211, %dma_wait3A_212] : memref<3x512x64xf32, #tpu.memory_space<vmem>> -> memref<1x512x64xf32, #tpu.memory_space<vmem>>
    %dma_wait3A_214 = tpu.memref_squeeze %dma_wait3A_213 : memref<1x512x64xf32, #tpu.memory_space<vmem>> -> memref<512x64xf32, #tpu.memory_space<vmem>>
    %dma_wait3A_215 = arith.constant 0 : i32
    %dma_wait3A_216 = arith.constant 0 : i32
    %dma_wait3A_217 = tpu.memref_slice %arg3[%dma_wait3A_215, %dma_wait3A_216] : memref<1000000x64xf32, #tpu.memory_space<hbm>> -> memref<512x64xf32, #tpu.memory_space<hbm>>
    %dma_wait3A_218 = arith.constant 0 : i32
    %dma_wait3A_219 = arith.constant 0 : i32
    %dma_wait3A_220 = tpu.memref_slice %arg6[%dma_wait3A_210, %dma_wait3A_218, %dma_wait3A_219] : memref<3x512x64xf32, #tpu.memory_space<vmem>> -> memref<1x512x64xf32, #tpu.memory_space<vmem>>
    %dma_wait3A_221 = tpu.memref_squeeze %dma_wait3A_220 : memref<1x512x64xf32, #tpu.memory_space<vmem>> -> memref<512x64xf32, #tpu.memory_space<vmem>>
    %dma_wait3A_222 = arith.constant 0 : i32
    %dma_wait3A_223 = arith.constant 0 : i32
    %dma_wait3A_224 = tpu.memref_slice %arg3[%dma_wait3A_222, %dma_wait3A_223] : memref<1000000x64xf32, #tpu.memory_space<hbm>> -> memref<512x64xf32, #tpu.memory_space<hbm>>
    tpu.wait_dma2 semaphore(%arg9 : memref<!tpu.dma_semaphore, #tpu.memory_space<semaphore_mem>>) src(%dma_wait3A_224 : memref<512x64xf32, #tpu.memory_space<hbm>>) dst(%dma_wait3A_221 : memref<512x64xf32, #tpu.memory_space<vmem>>)
    %add3A_225 = arith.constant 788 : i32
    %add3A_226 = arith.addi %mul3A_2, %add3A_225 : i32
    %mul3A_227 = arith.constant 128 : i32
    %mul3A_228 = arith.muli %add3A_226, %mul3A_227 : i32
    %run_scoped3A_229 = arith.constant 2 : i32
    "tpu.region"() ({
      %run_scoped3A_380 = tpu.sem_alloc : memref<!tpu.dma_semaphore, #tpu.memory_space<semaphore_mem>>
      %dma_start3A_381 = arith.constant 0 : i32
      %dma_start3A_382 = arith.constant 0 : i32
      %dma_start3A_383 = tpu.memref_slice %arg6[%run_scoped3A_229, %dma_start3A_381, %dma_start3A_382] : memref<3x512x64xf32, #tpu.memory_space<vmem>> -> memref<1x512x64xf32, #tpu.memory_space<vmem>>
      %dma_start3A_384 = tpu.memref_squeeze %dma_start3A_383 : memref<1x512x64xf32, #tpu.memory_space<vmem>> -> memref<512x64xf32, #tpu.memory_space<vmem>>
      %dma_start3A_385 = arith.constant 0 : i32
      %dma_start3A_386 = tpu.memref_slice %arg4[%mul3A_228, %dma_start3A_385] : memref<3276800x64xf32, #tpu.memory_space<hbm>> -> memref<512x64xf32, #tpu.memory_space<hbm>>
      %dma_start3A_387 = arith.constant 0 : i32
      %dma_start3A_388 = tpu.memref_slice %arg4[%mul3A_228, %dma_start3A_387] : memref<3276800x64xf32, #tpu.memory_space<hbm>> -> memref<512x64xf32, #tpu.memory_space<hbm>>
      %dma_start3A_389 = arith.constant 0 : i32
      %dma_start3A_390 = arith.constant 0 : i32
      %dma_start3A_391 = tpu.memref_slice %arg6[%run_scoped3A_229, %dma_start3A_389, %dma_start3A_390] : memref<3x512x64xf32, #tpu.memory_space<vmem>> -> memref<1x512x64xf32, #tpu.memory_space<vmem>>
      %dma_start3A_392 = tpu.memref_squeeze %dma_start3A_391 : memref<1x512x64xf32, #tpu.memory_space<vmem>> -> memref<512x64xf32, #tpu.memory_space<vmem>>
      tpu.enqueue_dma source(%dma_start3A_392 : memref<512x64xf32, #tpu.memory_space<vmem>>) target(%dma_start3A_388 : memref<512x64xf32, #tpu.memory_space<hbm>>) target_semaphore(%run_scoped3A_380 : memref<!tpu.dma_semaphore, #tpu.memory_space<semaphore_mem>>)
      %dma_wait3A_393 = arith.constant 0 : i32
      %dma_wait3A_394 = arith.constant 0 : i32
      %dma_wait3A_395 = tpu.memref_slice %arg6[%run_scoped3A_229, %dma_wait3A_393, %dma_wait3A_394] : memref<3x512x64xf32, #tpu.memory_space<vmem>> -> memref<1x512x64xf32, #tpu.memory_space<vmem>>
      %dma_wait3A_396 = tpu.memref_squeeze %dma_wait3A_395 : memref<1x512x64xf32, #tpu.memory_space<vmem>> -> memref<512x64xf32, #tpu.memory_space<vmem>>
      %dma_wait3A_397 = arith.constant 0 : i32
      %dma_wait3A_398 = tpu.memref_slice %arg4[%mul3A_228, %dma_wait3A_397] : memref<3276800x64xf32, #tpu.memory_space<hbm>> -> memref<512x64xf32, #tpu.memory_space<hbm>>
      %dma_wait3A_399 = arith.constant 0 : i32
      %dma_wait3A_400 = tpu.memref_slice %arg4[%mul3A_228, %dma_wait3A_399] : memref<3276800x64xf32, #tpu.memory_space<hbm>> -> memref<512x64xf32, #tpu.memory_space<hbm>>
      %dma_wait3A_401 = arith.constant 0 : i32
      %dma_wait3A_402 = arith.constant 0 : i32
      %dma_wait3A_403 = tpu.memref_slice %arg6[%run_scoped3A_229, %dma_wait3A_401, %dma_wait3A_402] : memref<3x512x64xf32, #tpu.memory_space<vmem>> -> memref<1x512x64xf32, #tpu.memory_space<vmem>>
      %dma_wait3A_404 = tpu.memref_squeeze %dma_wait3A_403 : memref<1x512x64xf32, #tpu.memory_space<vmem>> -> memref<512x64xf32, #tpu.memory_space<vmem>>
      tpu.wait_dma2 semaphore(%run_scoped3A_380 : memref<!tpu.dma_semaphore, #tpu.memory_space<semaphore_mem>>) src(%dma_wait3A_404 : memref<512x64xf32, #tpu.memory_space<vmem>>) dst(%dma_wait3A_400 : memref<512x64xf32, #tpu.memory_space<hbm>>)
      tpu.yield
    }) : () -> ()
    %add3A_230 = arith.constant 792 : i32
    %add3A_231 = arith.addi %mul3A_2, %add3A_230 : i32
    %run_scoped3A_232 = arith.constant 0 : i32
    "tpu.region"() ({
      %run_scoped3A_380 = tpu.sem_alloc : memref<!tpu.dma_semaphore, #tpu.memory_space<semaphore_mem>>
      %dma_start3A_381 = arith.constant 0 : i32
      %dma_start3A_382 = arith.constant 0 : i32
      %dma_start3A_383 = tpu.memref_slice %arg5[%run_scoped3A_232, %dma_start3A_381, %dma_start3A_382] : memref<3x4x128xi32, #tpu.memory_space<vmem>> -> memref<1x4x128xi32, #tpu.memory_space<vmem>>
      %dma_start3A_384 = tpu.memref_squeeze %dma_start3A_383 : memref<1x4x128xi32, #tpu.memory_space<vmem>> -> memref<4x128xi32, #tpu.memory_space<vmem>>
      %dma_start3A_385 = arith.constant 0 : i32
      %dma_start3A_386 = tpu.memref_slice %arg2[%add3A_231, %dma_start3A_385] : memref<25600x128xi32, #tpu.memory_space<hbm>> -> memref<4x128xi32, #tpu.memory_space<hbm>>
      %dma_start3A_387 = arith.constant 0 : i32
      %dma_start3A_388 = arith.constant 0 : i32
      %dma_start3A_389 = tpu.memref_slice %arg5[%run_scoped3A_232, %dma_start3A_387, %dma_start3A_388] : memref<3x4x128xi32, #tpu.memory_space<vmem>> -> memref<1x4x128xi32, #tpu.memory_space<vmem>>
      %dma_start3A_390 = tpu.memref_squeeze %dma_start3A_389 : memref<1x4x128xi32, #tpu.memory_space<vmem>> -> memref<4x128xi32, #tpu.memory_space<vmem>>
      %dma_start3A_391 = arith.constant 0 : i32
      %dma_start3A_392 = tpu.memref_slice %arg2[%add3A_231, %dma_start3A_391] : memref<25600x128xi32, #tpu.memory_space<hbm>> -> memref<4x128xi32, #tpu.memory_space<hbm>>
      tpu.enqueue_dma source(%dma_start3A_392 : memref<4x128xi32, #tpu.memory_space<hbm>>) target(%dma_start3A_390 : memref<4x128xi32, #tpu.memory_space<vmem>>) target_semaphore(%run_scoped3A_380 : memref<!tpu.dma_semaphore, #tpu.memory_space<semaphore_mem>>)
      %dma_wait3A_393 = arith.constant 0 : i32
      %dma_wait3A_394 = arith.constant 0 : i32
      %dma_wait3A_395 = tpu.memref_slice %arg5[%run_scoped3A_232, %dma_wait3A_393, %dma_wait3A_394] : memref<3x4x128xi32, #tpu.memory_space<vmem>> -> memref<1x4x128xi32, #tpu.memory_space<vmem>>
      %dma_wait3A_396 = tpu.memref_squeeze %dma_wait3A_395 : memref<1x4x128xi32, #tpu.memory_space<vmem>> -> memref<4x128xi32, #tpu.memory_space<vmem>>
      %dma_wait3A_397 = arith.constant 0 : i32
      %dma_wait3A_398 = tpu.memref_slice %arg2[%add3A_231, %dma_wait3A_397] : memref<25600x128xi32, #tpu.memory_space<hbm>> -> memref<4x128xi32, #tpu.memory_space<hbm>>
      %dma_wait3A_399 = arith.constant 0 : i32
      %dma_wait3A_400 = arith.constant 0 : i32
      %dma_wait3A_401 = tpu.memref_slice %arg5[%run_scoped3A_232, %dma_wait3A_399, %dma_wait3A_400] : memref<3x4x128xi32, #tpu.memory_space<vmem>> -> memref<1x4x128xi32, #tpu.memory_space<vmem>>
      %dma_wait3A_402 = tpu.memref_squeeze %dma_wait3A_401 : memref<1x4x128xi32, #tpu.memory_space<vmem>> -> memref<4x128xi32, #tpu.memory_space<vmem>>
      %dma_wait3A_403 = arith.constant 0 : i32
      %dma_wait3A_404 = tpu.memref_slice %arg2[%add3A_231, %dma_wait3A_403] : memref<25600x128xi32, #tpu.memory_space<hbm>> -> memref<4x128xi32, #tpu.memory_space<hbm>>
      tpu.wait_dma2 semaphore(%run_scoped3A_380 : memref<!tpu.dma_semaphore, #tpu.memory_space<semaphore_mem>>) src(%dma_wait3A_404 : memref<4x128xi32, #tpu.memory_space<hbm>>) dst(%dma_wait3A_402 : memref<4x128xi32, #tpu.memory_space<vmem>>)
      tpu.yield
    }) : () -> ()
    %dma_start3A_233 = arith.constant 0 : i32
    %dma_start3A_234 = arith.constant 0 : i32
    %dma_start3A_235 = arith.constant 0 : i32
    %dma_start3A_236 = arith.constant 0 : i32
    %dma_start3A_237 = arith.constant 0 : i32
    %dma_start3A_238 = tpu.memref_slice %arg6[%dma_start3A_235, %dma_start3A_236, %dma_start3A_237] : memref<3x512x64xf32, #tpu.memory_space<vmem>> -> memref<1x128x64xf32, #tpu.memory_space<vmem>>
    %dma_start3A_239 = tpu.memref_squeeze %dma_start3A_238 : memref<1x128x64xf32, #tpu.memory_space<vmem>> -> memref<128x64xf32, #tpu.memory_space<vmem>>
    %dma_start3A_240 = arith.constant 0 : i32
    %dma_start3A_241 = tpu.memref_slice %arg5[%dma_start3A_233, %dma_start3A_234, %dma_start3A_240] : memref<3x4x128xi32, #tpu.memory_space<vmem>> -> memref<1x1x128xi32, #tpu.memory_space<vmem>>
    %dma_start3A_242 = tpu.memref_squeeze %dma_start3A_241 : memref<1x1x128xi32, #tpu.memory_space<vmem>> -> memref<128xi32, #tpu.memory_space<vmem>>
    %dma_start3A_243 = arith.constant 0 : i32
    %dma_start3A_244 = arith.constant 0 : i32
    %dma_start3A_245 = tpu.memref_slice %arg3[%dma_start3A_243, %dma_start3A_244] : memref<1000000x64xf32, #tpu.memory_space<hbm>> -> memref<1000000x64xf32, #tpu.memory_space<hbm>>
    tpu.enqueue_indirect_dma source(%dma_start3A_245 : memref<1000000x64xf32, #tpu.memory_space<hbm>>) target(%dma_start3A_239 : memref<128x64xf32, #tpu.memory_space<vmem>>) offsets(%dma_start3A_242 : memref<128xi32, #tpu.memory_space<vmem>>) semaphore(%arg7 : memref<!tpu.dma_semaphore, #tpu.memory_space<semaphore_mem>>)
    %dma_start3A_246 = arith.constant 0 : i32
    %dma_start3A_247 = arith.constant 1 : i32
    %dma_start3A_248 = arith.constant 0 : i32
    %dma_start3A_249 = arith.constant 128 : i32
    %dma_start3A_250 = arith.constant 0 : i32
    %dma_start3A_251 = tpu.memref_slice %arg6[%dma_start3A_248, %dma_start3A_249, %dma_start3A_250] : memref<3x512x64xf32, #tpu.memory_space<vmem>> -> memref<1x128x64xf32, #tpu.memory_space<vmem>>
    %dma_start3A_252 = tpu.memref_squeeze %dma_start3A_251 : memref<1x128x64xf32, #tpu.memory_space<vmem>> -> memref<128x64xf32, #tpu.memory_space<vmem>>
    %dma_start3A_253 = arith.constant 0 : i32
    %dma_start3A_254 = tpu.memref_slice %arg5[%dma_start3A_246, %dma_start3A_247, %dma_start3A_253] : memref<3x4x128xi32, #tpu.memory_space<vmem>> -> memref<1x1x128xi32, #tpu.memory_space<vmem>>
    %dma_start3A_255 = tpu.memref_squeeze %dma_start3A_254 : memref<1x1x128xi32, #tpu.memory_space<vmem>> -> memref<128xi32, #tpu.memory_space<vmem>>
    %dma_start3A_256 = arith.constant 0 : i32
    %dma_start3A_257 = arith.constant 0 : i32
    %dma_start3A_258 = tpu.memref_slice %arg3[%dma_start3A_256, %dma_start3A_257] : memref<1000000x64xf32, #tpu.memory_space<hbm>> -> memref<1000000x64xf32, #tpu.memory_space<hbm>>
    tpu.enqueue_indirect_dma source(%dma_start3A_258 : memref<1000000x64xf32, #tpu.memory_space<hbm>>) target(%dma_start3A_252 : memref<128x64xf32, #tpu.memory_space<vmem>>) offsets(%dma_start3A_255 : memref<128xi32, #tpu.memory_space<vmem>>) semaphore(%arg7 : memref<!tpu.dma_semaphore, #tpu.memory_space<semaphore_mem>>)
    %dma_start3A_259 = arith.constant 0 : i32
    %dma_start3A_260 = arith.constant 2 : i32
    %dma_start3A_261 = arith.constant 0 : i32
    %dma_start3A_262 = arith.constant 256 : i32
    %dma_start3A_263 = arith.constant 0 : i32
    %dma_start3A_264 = tpu.memref_slice %arg6[%dma_start3A_261, %dma_start3A_262, %dma_start3A_263] : memref<3x512x64xf32, #tpu.memory_space<vmem>> -> memref<1x128x64xf32, #tpu.memory_space<vmem>>
    %dma_start3A_265 = tpu.memref_squeeze %dma_start3A_264 : memref<1x128x64xf32, #tpu.memory_space<vmem>> -> memref<128x64xf32, #tpu.memory_space<vmem>>
    %dma_start3A_266 = arith.constant 0 : i32
    %dma_start3A_267 = tpu.memref_slice %arg5[%dma_start3A_259, %dma_start3A_260, %dma_start3A_266] : memref<3x4x128xi32, #tpu.memory_space<vmem>> -> memref<1x1x128xi32, #tpu.memory_space<vmem>>
    %dma_start3A_268 = tpu.memref_squeeze %dma_start3A_267 : memref<1x1x128xi32, #tpu.memory_space<vmem>> -> memref<128xi32, #tpu.memory_space<vmem>>
    %dma_start3A_269 = arith.constant 0 : i32
    %dma_start3A_270 = arith.constant 0 : i32
    %dma_start3A_271 = tpu.memref_slice %arg3[%dma_start3A_269, %dma_start3A_270] : memref<1000000x64xf32, #tpu.memory_space<hbm>> -> memref<1000000x64xf32, #tpu.memory_space<hbm>>
    tpu.enqueue_indirect_dma source(%dma_start3A_271 : memref<1000000x64xf32, #tpu.memory_space<hbm>>) target(%dma_start3A_265 : memref<128x64xf32, #tpu.memory_space<vmem>>) offsets(%dma_start3A_268 : memref<128xi32, #tpu.memory_space<vmem>>) semaphore(%arg7 : memref<!tpu.dma_semaphore, #tpu.memory_space<semaphore_mem>>)
    %dma_start3A_272 = arith.constant 0 : i32
    %dma_start3A_273 = arith.constant 3 : i32
    %dma_start3A_274 = arith.constant 0 : i32
    %dma_start3A_275 = arith.constant 384 : i32
    %dma_start3A_276 = arith.constant 0 : i32
    %dma_start3A_277 = tpu.memref_slice %arg6[%dma_start3A_274, %dma_start3A_275, %dma_start3A_276] : memref<3x512x64xf32, #tpu.memory_space<vmem>> -> memref<1x128x64xf32, #tpu.memory_space<vmem>>
    %dma_start3A_278 = tpu.memref_squeeze %dma_start3A_277 : memref<1x128x64xf32, #tpu.memory_space<vmem>> -> memref<128x64xf32, #tpu.memory_space<vmem>>
    %dma_start3A_279 = arith.constant 0 : i32
    %dma_start3A_280 = tpu.memref_slice %arg5[%dma_start3A_272, %dma_start3A_273, %dma_start3A_279] : memref<3x4x128xi32, #tpu.memory_space<vmem>> -> memref<1x1x128xi32, #tpu.memory_space<vmem>>
    %dma_start3A_281 = tpu.memref_squeeze %dma_start3A_280 : memref<1x1x128xi32, #tpu.memory_space<vmem>> -> memref<128xi32, #tpu.memory_space<vmem>>
    %dma_start3A_282 = arith.constant 0 : i32
    %dma_start3A_283 = arith.constant 0 : i32
    %dma_start3A_284 = tpu.memref_slice %arg3[%dma_start3A_282, %dma_start3A_283] : memref<1000000x64xf32, #tpu.memory_space<hbm>> -> memref<1000000x64xf32, #tpu.memory_space<hbm>>
    tpu.enqueue_indirect_dma source(%dma_start3A_284 : memref<1000000x64xf32, #tpu.memory_space<hbm>>) target(%dma_start3A_278 : memref<128x64xf32, #tpu.memory_space<vmem>>) offsets(%dma_start3A_281 : memref<128xi32, #tpu.memory_space<vmem>>) semaphore(%arg7 : memref<!tpu.dma_semaphore, #tpu.memory_space<semaphore_mem>>)
    %dma_wait3A_285 = arith.constant 0 : i32
    %dma_wait3A_286 = arith.constant 0 : i32
    %dma_wait3A_287 = arith.constant 0 : i32
    %dma_wait3A_288 = tpu.memref_slice %arg6[%dma_wait3A_285, %dma_wait3A_286, %dma_wait3A_287] : memref<3x512x64xf32, #tpu.memory_space<vmem>> -> memref<1x512x64xf32, #tpu.memory_space<vmem>>
    %dma_wait3A_289 = tpu.memref_squeeze %dma_wait3A_288 : memref<1x512x64xf32, #tpu.memory_space<vmem>> -> memref<512x64xf32, #tpu.memory_space<vmem>>
    %dma_wait3A_290 = arith.constant 0 : i32
    %dma_wait3A_291 = arith.constant 0 : i32
    %dma_wait3A_292 = tpu.memref_slice %arg3[%dma_wait3A_290, %dma_wait3A_291] : memref<1000000x64xf32, #tpu.memory_space<hbm>> -> memref<512x64xf32, #tpu.memory_space<hbm>>
    %dma_wait3A_293 = arith.constant 0 : i32
    %dma_wait3A_294 = arith.constant 0 : i32
    %dma_wait3A_295 = tpu.memref_slice %arg6[%dma_wait3A_285, %dma_wait3A_293, %dma_wait3A_294] : memref<3x512x64xf32, #tpu.memory_space<vmem>> -> memref<1x512x64xf32, #tpu.memory_space<vmem>>
    %dma_wait3A_296 = tpu.memref_squeeze %dma_wait3A_295 : memref<1x512x64xf32, #tpu.memory_space<vmem>> -> memref<512x64xf32, #tpu.memory_space<vmem>>
    %dma_wait3A_297 = arith.constant 0 : i32
    %dma_wait3A_298 = arith.constant 0 : i32
    %dma_wait3A_299 = tpu.memref_slice %arg3[%dma_wait3A_297, %dma_wait3A_298] : memref<1000000x64xf32, #tpu.memory_space<hbm>> -> memref<512x64xf32, #tpu.memory_space<hbm>>
    tpu.wait_dma2 semaphore(%arg7 : memref<!tpu.dma_semaphore, #tpu.memory_space<semaphore_mem>>) src(%dma_wait3A_299 : memref<512x64xf32, #tpu.memory_space<hbm>>) dst(%dma_wait3A_296 : memref<512x64xf32, #tpu.memory_space<vmem>>)
    %add3A_300 = arith.constant 792 : i32
    %add3A_301 = arith.addi %mul3A_2, %add3A_300 : i32
    %mul3A_302 = arith.constant 128 : i32
    %mul3A_303 = arith.muli %add3A_301, %mul3A_302 : i32
    %run_scoped3A_304 = arith.constant 0 : i32
    "tpu.region"() ({
      %run_scoped3A_380 = tpu.sem_alloc : memref<!tpu.dma_semaphore, #tpu.memory_space<semaphore_mem>>
      %dma_start3A_381 = arith.constant 0 : i32
      %dma_start3A_382 = arith.constant 0 : i32
      %dma_start3A_383 = tpu.memref_slice %arg6[%run_scoped3A_304, %dma_start3A_381, %dma_start3A_382] : memref<3x512x64xf32, #tpu.memory_space<vmem>> -> memref<1x512x64xf32, #tpu.memory_space<vmem>>
      %dma_start3A_384 = tpu.memref_squeeze %dma_start3A_383 : memref<1x512x64xf32, #tpu.memory_space<vmem>> -> memref<512x64xf32, #tpu.memory_space<vmem>>
      %dma_start3A_385 = arith.constant 0 : i32
      %dma_start3A_386 = tpu.memref_slice %arg4[%mul3A_303, %dma_start3A_385] : memref<3276800x64xf32, #tpu.memory_space<hbm>> -> memref<512x64xf32, #tpu.memory_space<hbm>>
      %dma_start3A_387 = arith.constant 0 : i32
      %dma_start3A_388 = tpu.memref_slice %arg4[%mul3A_303, %dma_start3A_387] : memref<3276800x64xf32, #tpu.memory_space<hbm>> -> memref<512x64xf32, #tpu.memory_space<hbm>>
      %dma_start3A_389 = arith.constant 0 : i32
      %dma_start3A_390 = arith.constant 0 : i32
      %dma_start3A_391 = tpu.memref_slice %arg6[%run_scoped3A_304, %dma_start3A_389, %dma_start3A_390] : memref<3x512x64xf32, #tpu.memory_space<vmem>> -> memref<1x512x64xf32, #tpu.memory_space<vmem>>
      %dma_start3A_392 = tpu.memref_squeeze %dma_start3A_391 : memref<1x512x64xf32, #tpu.memory_space<vmem>> -> memref<512x64xf32, #tpu.memory_space<vmem>>
      tpu.enqueue_dma source(%dma_start3A_392 : memref<512x64xf32, #tpu.memory_space<vmem>>) target(%dma_start3A_388 : memref<512x64xf32, #tpu.memory_space<hbm>>) target_semaphore(%run_scoped3A_380 : memref<!tpu.dma_semaphore, #tpu.memory_space<semaphore_mem>>)
      %dma_wait3A_393 = arith.constant 0 : i32
      %dma_wait3A_394 = arith.constant 0 : i32
      %dma_wait3A_395 = tpu.memref_slice %arg6[%run_scoped3A_304, %dma_wait3A_393, %dma_wait3A_394] : memref<3x512x64xf32, #tpu.memory_space<vmem>> -> memref<1x512x64xf32, #tpu.memory_space<vmem>>
      %dma_wait3A_396 = tpu.memref_squeeze %dma_wait3A_395 : memref<1x512x64xf32, #tpu.memory_space<vmem>> -> memref<512x64xf32, #tpu.memory_space<vmem>>
      %dma_wait3A_397 = arith.constant 0 : i32
      %dma_wait3A_398 = tpu.memref_slice %arg4[%mul3A_303, %dma_wait3A_397] : memref<3276800x64xf32, #tpu.memory_space<hbm>> -> memref<512x64xf32, #tpu.memory_space<hbm>>
      %dma_wait3A_399 = arith.constant 0 : i32
      %dma_wait3A_400 = tpu.memref_slice %arg4[%mul3A_303, %dma_wait3A_399] : memref<3276800x64xf32, #tpu.memory_space<hbm>> -> memref<512x64xf32, #tpu.memory_space<hbm>>
      %dma_wait3A_401 = arith.constant 0 : i32
      %dma_wait3A_402 = arith.constant 0 : i32
      %dma_wait3A_403 = tpu.memref_slice %arg6[%run_scoped3A_304, %dma_wait3A_401, %dma_wait3A_402] : memref<3x512x64xf32, #tpu.memory_space<vmem>> -> memref<1x512x64xf32, #tpu.memory_space<vmem>>
      %dma_wait3A_404 = tpu.memref_squeeze %dma_wait3A_403 : memref<1x512x64xf32, #tpu.memory_space<vmem>> -> memref<512x64xf32, #tpu.memory_space<vmem>>
      tpu.wait_dma2 semaphore(%run_scoped3A_380 : memref<!tpu.dma_semaphore, #tpu.memory_space<semaphore_mem>>) src(%dma_wait3A_404 : memref<512x64xf32, #tpu.memory_space<vmem>>) dst(%dma_wait3A_400 : memref<512x64xf32, #tpu.memory_space<hbm>>)
      tpu.yield
    }) : () -> ()
    %add3A_305 = arith.constant 796 : i32
    %add3A_306 = arith.addi %mul3A_2, %add3A_305 : i32
    %run_scoped3A_307 = arith.constant 1 : i32
    "tpu.region"() ({
      %run_scoped3A_380 = tpu.sem_alloc : memref<!tpu.dma_semaphore, #tpu.memory_space<semaphore_mem>>
      %dma_start3A_381 = arith.constant 0 : i32
      %dma_start3A_382 = arith.constant 0 : i32
      %dma_start3A_383 = tpu.memref_slice %arg5[%run_scoped3A_307, %dma_start3A_381, %dma_start3A_382] : memref<3x4x128xi32, #tpu.memory_space<vmem>> -> memref<1x4x128xi32, #tpu.memory_space<vmem>>
      %dma_start3A_384 = tpu.memref_squeeze %dma_start3A_383 : memref<1x4x128xi32, #tpu.memory_space<vmem>> -> memref<4x128xi32, #tpu.memory_space<vmem>>
      %dma_start3A_385 = arith.constant 0 : i32
      %dma_start3A_386 = tpu.memref_slice %arg2[%add3A_306, %dma_start3A_385] : memref<25600x128xi32, #tpu.memory_space<hbm>> -> memref<4x128xi32, #tpu.memory_space<hbm>>
      %dma_start3A_387 = arith.constant 0 : i32
      %dma_start3A_388 = arith.constant 0 : i32
      %dma_start3A_389 = tpu.memref_slice %arg5[%run_scoped3A_307, %dma_start3A_387, %dma_start3A_388] : memref<3x4x128xi32, #tpu.memory_space<vmem>> -> memref<1x4x128xi32, #tpu.memory_space<vmem>>
      %dma_start3A_390 = tpu.memref_squeeze %dma_start3A_389 : memref<1x4x128xi32, #tpu.memory_space<vmem>> -> memref<4x128xi32, #tpu.memory_space<vmem>>
      %dma_start3A_391 = arith.constant 0 : i32
      %dma_start3A_392 = tpu.memref_slice %arg2[%add3A_306, %dma_start3A_391] : memref<25600x128xi32, #tpu.memory_space<hbm>> -> memref<4x128xi32, #tpu.memory_space<hbm>>
      tpu.enqueue_dma source(%dma_start3A_392 : memref<4x128xi32, #tpu.memory_space<hbm>>) target(%dma_start3A_390 : memref<4x128xi32, #tpu.memory_space<vmem>>) target_semaphore(%run_scoped3A_380 : memref<!tpu.dma_semaphore, #tpu.memory_space<semaphore_mem>>)
      %dma_wait3A_393 = arith.constant 0 : i32
      %dma_wait3A_394 = arith.constant 0 : i32
      %dma_wait3A_395 = tpu.memref_slice %arg5[%run_scoped3A_307, %dma_wait3A_393, %dma_wait3A_394] : memref<3x4x128xi32, #tpu.memory_space<vmem>> -> memref<1x4x128xi32, #tpu.memory_space<vmem>>
      %dma_wait3A_396 = tpu.memref_squeeze %dma_wait3A_395 : memref<1x4x128xi32, #tpu.memory_space<vmem>> -> memref<4x128xi32, #tpu.memory_space<vmem>>
      %dma_wait3A_397 = arith.constant 0 : i32
      %dma_wait3A_398 = tpu.memref_slice %arg2[%add3A_306, %dma_wait3A_397] : memref<25600x128xi32, #tpu.memory_space<hbm>> -> memref<4x128xi32, #tpu.memory_space<hbm>>
      %dma_wait3A_399 = arith.constant 0 : i32
      %dma_wait3A_400 = arith.constant 0 : i32
      %dma_wait3A_401 = tpu.memref_slice %arg5[%run_scoped3A_307, %dma_wait3A_399, %dma_wait3A_400] : memref<3x4x128xi32, #tpu.memory_space<vmem>> -> memref<1x4x128xi32, #tpu.memory_space<vmem>>
      %dma_wait3A_402 = tpu.memref_squeeze %dma_wait3A_401 : memref<1x4x128xi32, #tpu.memory_space<vmem>> -> memref<4x128xi32, #tpu.memory_space<vmem>>
      %dma_wait3A_403 = arith.constant 0 : i32
      %dma_wait3A_404 = tpu.memref_slice %arg2[%add3A_306, %dma_wait3A_403] : memref<25600x128xi32, #tpu.memory_space<hbm>> -> memref<4x128xi32, #tpu.memory_space<hbm>>
      tpu.wait_dma2 semaphore(%run_scoped3A_380 : memref<!tpu.dma_semaphore, #tpu.memory_space<semaphore_mem>>) src(%dma_wait3A_404 : memref<4x128xi32, #tpu.memory_space<hbm>>) dst(%dma_wait3A_402 : memref<4x128xi32, #tpu.memory_space<vmem>>)
      tpu.yield
    }) : () -> ()
    %dma_start3A_308 = arith.constant 1 : i32
    %dma_start3A_309 = arith.constant 0 : i32
    %dma_start3A_310 = arith.constant 1 : i32
    %dma_start3A_311 = arith.constant 0 : i32
    %dma_start3A_312 = arith.constant 0 : i32
    %dma_start3A_313 = tpu.memref_slice %arg6[%dma_start3A_310, %dma_start3A_311, %dma_start3A_312] : memref<3x512x64xf32, #tpu.memory_space<vmem>> -> memref<1x128x64xf32, #tpu.memory_space<vmem>>
    %dma_start3A_314 = tpu.memref_squeeze %dma_start3A_313 : memref<1x128x64xf32, #tpu.memory_space<vmem>> -> memref<128x64xf32, #tpu.memory_space<vmem>>
    %dma_start3A_315 = arith.constant 0 : i32
    %dma_start3A_316 = tpu.memref_slice %arg5[%dma_start3A_308, %dma_start3A_309, %dma_start3A_315] : memref<3x4x128xi32, #tpu.memory_space<vmem>> -> memref<1x1x128xi32, #tpu.memory_space<vmem>>
    %dma_start3A_317 = tpu.memref_squeeze %dma_start3A_316 : memref<1x1x128xi32, #tpu.memory_space<vmem>> -> memref<128xi32, #tpu.memory_space<vmem>>
    %dma_start3A_318 = arith.constant 0 : i32
    %dma_start3A_319 = arith.constant 0 : i32
    %dma_start3A_320 = tpu.memref_slice %arg3[%dma_start3A_318, %dma_start3A_319] : memref<1000000x64xf32, #tpu.memory_space<hbm>> -> memref<1000000x64xf32, #tpu.memory_space<hbm>>
    tpu.enqueue_indirect_dma source(%dma_start3A_320 : memref<1000000x64xf32, #tpu.memory_space<hbm>>) target(%dma_start3A_314 : memref<128x64xf32, #tpu.memory_space<vmem>>) offsets(%dma_start3A_317 : memref<128xi32, #tpu.memory_space<vmem>>) semaphore(%arg8 : memref<!tpu.dma_semaphore, #tpu.memory_space<semaphore_mem>>)
    %dma_start3A_321 = arith.constant 1 : i32
    %dma_start3A_322 = arith.constant 1 : i32
    %dma_start3A_323 = arith.constant 1 : i32
    %dma_start3A_324 = arith.constant 128 : i32
    %dma_start3A_325 = arith.constant 0 : i32
    %dma_start3A_326 = tpu.memref_slice %arg6[%dma_start3A_323, %dma_start3A_324, %dma_start3A_325] : memref<3x512x64xf32, #tpu.memory_space<vmem>> -> memref<1x128x64xf32, #tpu.memory_space<vmem>>
    %dma_start3A_327 = tpu.memref_squeeze %dma_start3A_326 : memref<1x128x64xf32, #tpu.memory_space<vmem>> -> memref<128x64xf32, #tpu.memory_space<vmem>>
    %dma_start3A_328 = arith.constant 0 : i32
    %dma_start3A_329 = tpu.memref_slice %arg5[%dma_start3A_321, %dma_start3A_322, %dma_start3A_328] : memref<3x4x128xi32, #tpu.memory_space<vmem>> -> memref<1x1x128xi32, #tpu.memory_space<vmem>>
    %dma_start3A_330 = tpu.memref_squeeze %dma_start3A_329 : memref<1x1x128xi32, #tpu.memory_space<vmem>> -> memref<128xi32, #tpu.memory_space<vmem>>
    %dma_start3A_331 = arith.constant 0 : i32
    %dma_start3A_332 = arith.constant 0 : i32
    %dma_start3A_333 = tpu.memref_slice %arg3[%dma_start3A_331, %dma_start3A_332] : memref<1000000x64xf32, #tpu.memory_space<hbm>> -> memref<1000000x64xf32, #tpu.memory_space<hbm>>
    tpu.enqueue_indirect_dma source(%dma_start3A_333 : memref<1000000x64xf32, #tpu.memory_space<hbm>>) target(%dma_start3A_327 : memref<128x64xf32, #tpu.memory_space<vmem>>) offsets(%dma_start3A_330 : memref<128xi32, #tpu.memory_space<vmem>>) semaphore(%arg8 : memref<!tpu.dma_semaphore, #tpu.memory_space<semaphore_mem>>)
    %dma_start3A_334 = arith.constant 1 : i32
    %dma_start3A_335 = arith.constant 2 : i32
    %dma_start3A_336 = arith.constant 1 : i32
    %dma_start3A_337 = arith.constant 256 : i32
    %dma_start3A_338 = arith.constant 0 : i32
    %dma_start3A_339 = tpu.memref_slice %arg6[%dma_start3A_336, %dma_start3A_337, %dma_start3A_338] : memref<3x512x64xf32, #tpu.memory_space<vmem>> -> memref<1x128x64xf32, #tpu.memory_space<vmem>>
    %dma_start3A_340 = tpu.memref_squeeze %dma_start3A_339 : memref<1x128x64xf32, #tpu.memory_space<vmem>> -> memref<128x64xf32, #tpu.memory_space<vmem>>
    %dma_start3A_341 = arith.constant 0 : i32
    %dma_start3A_342 = tpu.memref_slice %arg5[%dma_start3A_334, %dma_start3A_335, %dma_start3A_341] : memref<3x4x128xi32, #tpu.memory_space<vmem>> -> memref<1x1x128xi32, #tpu.memory_space<vmem>>
    %dma_start3A_343 = tpu.memref_squeeze %dma_start3A_342 : memref<1x1x128xi32, #tpu.memory_space<vmem>> -> memref<128xi32, #tpu.memory_space<vmem>>
    %dma_start3A_344 = arith.constant 0 : i32
    %dma_start3A_345 = arith.constant 0 : i32
    %dma_start3A_346 = tpu.memref_slice %arg3[%dma_start3A_344, %dma_start3A_345] : memref<1000000x64xf32, #tpu.memory_space<hbm>> -> memref<1000000x64xf32, #tpu.memory_space<hbm>>
    tpu.enqueue_indirect_dma source(%dma_start3A_346 : memref<1000000x64xf32, #tpu.memory_space<hbm>>) target(%dma_start3A_340 : memref<128x64xf32, #tpu.memory_space<vmem>>) offsets(%dma_start3A_343 : memref<128xi32, #tpu.memory_space<vmem>>) semaphore(%arg8 : memref<!tpu.dma_semaphore, #tpu.memory_space<semaphore_mem>>)
    %dma_start3A_347 = arith.constant 1 : i32
    %dma_start3A_348 = arith.constant 3 : i32
    %dma_start3A_349 = arith.constant 1 : i32
    %dma_start3A_350 = arith.constant 384 : i32
    %dma_start3A_351 = arith.constant 0 : i32
    %dma_start3A_352 = tpu.memref_slice %arg6[%dma_start3A_349, %dma_start3A_350, %dma_start3A_351] : memref<3x512x64xf32, #tpu.memory_space<vmem>> -> memref<1x128x64xf32, #tpu.memory_space<vmem>>
    %dma_start3A_353 = tpu.memref_squeeze %dma_start3A_352 : memref<1x128x64xf32, #tpu.memory_space<vmem>> -> memref<128x64xf32, #tpu.memory_space<vmem>>
    %dma_start3A_354 = arith.constant 0 : i32
    %dma_start3A_355 = tpu.memref_slice %arg5[%dma_start3A_347, %dma_start3A_348, %dma_start3A_354] : memref<3x4x128xi32, #tpu.memory_space<vmem>> -> memref<1x1x128xi32, #tpu.memory_space<vmem>>
    %dma_start3A_356 = tpu.memref_squeeze %dma_start3A_355 : memref<1x1x128xi32, #tpu.memory_space<vmem>> -> memref<128xi32, #tpu.memory_space<vmem>>
    %dma_start3A_357 = arith.constant 0 : i32
    %dma_start3A_358 = arith.constant 0 : i32
    %dma_start3A_359 = tpu.memref_slice %arg3[%dma_start3A_357, %dma_start3A_358] : memref<1000000x64xf32, #tpu.memory_space<hbm>> -> memref<1000000x64xf32, #tpu.memory_space<hbm>>
    tpu.enqueue_indirect_dma source(%dma_start3A_359 : memref<1000000x64xf32, #tpu.memory_space<hbm>>) target(%dma_start3A_353 : memref<128x64xf32, #tpu.memory_space<vmem>>) offsets(%dma_start3A_356 : memref<128xi32, #tpu.memory_space<vmem>>) semaphore(%arg8 : memref<!tpu.dma_semaphore, #tpu.memory_space<semaphore_mem>>)
    %dma_wait3A_360 = arith.constant 1 : i32
    %dma_wait3A_361 = arith.constant 0 : i32
    %dma_wait3A_362 = arith.constant 0 : i32
    %dma_wait3A_363 = tpu.memref_slice %arg6[%dma_wait3A_360, %dma_wait3A_361, %dma_wait3A_362] : memref<3x512x64xf32, #tpu.memory_space<vmem>> -> memref<1x512x64xf32, #tpu.memory_space<vmem>>
    %dma_wait3A_364 = tpu.memref_squeeze %dma_wait3A_363 : memref<1x512x64xf32, #tpu.memory_space<vmem>> -> memref<512x64xf32, #tpu.memory_space<vmem>>
    %dma_wait3A_365 = arith.constant 0 : i32
    %dma_wait3A_366 = arith.constant 0 : i32
    %dma_wait3A_367 = tpu.memref_slice %arg3[%dma_wait3A_365, %dma_wait3A_366] : memref<1000000x64xf32, #tpu.memory_space<hbm>> -> memref<512x64xf32, #tpu.memory_space<hbm>>
    %dma_wait3A_368 = arith.constant 0 : i32
    %dma_wait3A_369 = arith.constant 0 : i32
    %dma_wait3A_370 = tpu.memref_slice %arg6[%dma_wait3A_360, %dma_wait3A_368, %dma_wait3A_369] : memref<3x512x64xf32, #tpu.memory_space<vmem>> -> memref<1x512x64xf32, #tpu.memory_space<vmem>>
    %dma_wait3A_371 = tpu.memref_squeeze %dma_wait3A_370 : memref<1x512x64xf32, #tpu.memory_space<vmem>> -> memref<512x64xf32, #tpu.memory_space<vmem>>
    %dma_wait3A_372 = arith.constant 0 : i32
    %dma_wait3A_373 = arith.constant 0 : i32
    %dma_wait3A_374 = tpu.memref_slice %arg3[%dma_wait3A_372, %dma_wait3A_373] : memref<1000000x64xf32, #tpu.memory_space<hbm>> -> memref<512x64xf32, #tpu.memory_space<hbm>>
    tpu.wait_dma2 semaphore(%arg8 : memref<!tpu.dma_semaphore, #tpu.memory_space<semaphore_mem>>) src(%dma_wait3A_374 : memref<512x64xf32, #tpu.memory_space<hbm>>) dst(%dma_wait3A_371 : memref<512x64xf32, #tpu.memory_space<vmem>>)
    %add3A_375 = arith.constant 796 : i32
    %add3A_376 = arith.addi %mul3A_2, %add3A_375 : i32
    %mul3A_377 = arith.constant 128 : i32
    %mul3A_378 = arith.muli %add3A_376, %mul3A_377 : i32
    %run_scoped3A_379 = arith.constant 1 : i32
    "tpu.region"() ({
      %run_scoped3A_380 = tpu.sem_alloc : memref<!tpu.dma_semaphore, #tpu.memory_space<semaphore_mem>>
      %dma_start3A_381 = arith.constant 0 : i32
      %dma_start3A_382 = arith.constant 0 : i32
      %dma_start3A_383 = tpu.memref_slice %arg6[%run_scoped3A_379, %dma_start3A_381, %dma_start3A_382] : memref<3x512x64xf32, #tpu.memory_space<vmem>> -> memref<1x512x64xf32, #tpu.memory_space<vmem>>
      %dma_start3A_384 = tpu.memref_squeeze %dma_start3A_383 : memref<1x512x64xf32, #tpu.memory_space<vmem>> -> memref<512x64xf32, #tpu.memory_space<vmem>>
      %dma_start3A_385 = arith.constant 0 : i32
      %dma_start3A_386 = tpu.memref_slice %arg4[%mul3A_378, %dma_start3A_385] : memref<3276800x64xf32, #tpu.memory_space<hbm>> -> memref<512x64xf32, #tpu.memory_space<hbm>>
      %dma_start3A_387 = arith.constant 0 : i32
      %dma_start3A_388 = tpu.memref_slice %arg4[%mul3A_378, %dma_start3A_387] : memref<3276800x64xf32, #tpu.memory_space<hbm>> -> memref<512x64xf32, #tpu.memory_space<hbm>>
      %dma_start3A_389 = arith.constant 0 : i32
      %dma_start3A_390 = arith.constant 0 : i32
      %dma_start3A_391 = tpu.memref_slice %arg6[%run_scoped3A_379, %dma_start3A_389, %dma_start3A_390] : memref<3x512x64xf32, #tpu.memory_space<vmem>> -> memref<1x512x64xf32, #tpu.memory_space<vmem>>
      %dma_start3A_392 = tpu.memref_squeeze %dma_start3A_391 : memref<1x512x64xf32, #tpu.memory_space<vmem>> -> memref<512x64xf32, #tpu.memory_space<vmem>>
      tpu.enqueue_dma source(%dma_start3A_392 : memref<512x64xf32, #tpu.memory_space<vmem>>) target(%dma_start3A_388 : memref<512x64xf32, #tpu.memory_space<hbm>>) target_semaphore(%run_scoped3A_380 : memref<!tpu.dma_semaphore, #tpu.memory_space<semaphore_mem>>)
      %dma_wait3A_393 = arith.constant 0 : i32
      %dma_wait3A_394 = arith.constant 0 : i32
      %dma_wait3A_395 = tpu.memref_slice %arg6[%run_scoped3A_379, %dma_wait3A_393, %dma_wait3A_394] : memref<3x512x64xf32, #tpu.memory_space<vmem>> -> memref<1x512x64xf32, #tpu.memory_space<vmem>>
      %dma_wait3A_396 = tpu.memref_squeeze %dma_wait3A_395 : memref<1x512x64xf32, #tpu.memory_space<vmem>> -> memref<512x64xf32, #tpu.memory_space<vmem>>
      %dma_wait3A_397 = arith.constant 0 : i32
      %dma_wait3A_398 = tpu.memref_slice %arg4[%mul3A_378, %dma_wait3A_397] : memref<3276800x64xf32, #tpu.memory_space<hbm>> -> memref<512x64xf32, #tpu.memory_space<hbm>>
      %dma_wait3A_399 = arith.constant 0 : i32
      %dma_wait3A_400 = tpu.memref_slice %arg4[%mul3A_378, %dma_wait3A_399] : memref<3276800x64xf32, #tpu.memory_space<hbm>> -> memref<512x64xf32, #tpu.memory_space<hbm>>
      %dma_wait3A_401 = arith.constant 0 : i32
      %dma_wait3A_402 = arith.constant 0 : i32
      %dma_wait3A_403 = tpu.memref_slice %arg6[%run_scoped3A_379, %dma_wait3A_401, %dma_wait3A_402] : memref<3x512x64xf32, #tpu.memory_space<vmem>> -> memref<1x512x64xf32, #tpu.memory_space<vmem>>
      %dma_wait3A_404 = tpu.memref_squeeze %dma_wait3A_403 : memref<1x512x64xf32, #tpu.memory_space<vmem>> -> memref<512x64xf32, #tpu.memory_space<vmem>>
      tpu.wait_dma2 semaphore(%run_scoped3A_380 : memref<!tpu.dma_semaphore, #tpu.memory_space<semaphore_mem>>) src(%dma_wait3A_404 : memref<512x64xf32, #tpu.memory_space<vmem>>) dst(%dma_wait3A_400 : memref<512x64xf32, #tpu.memory_space<hbm>>)
      tpu.yield
    }) : () -> ()
    return
  }
}

</mosaic_0001>

<sc_bundles>
// kernel: kernel.3.cloned.1.call-start
scs
__scs_entry_jumppad:
0x0: {  	(pc) =	sbr.rel $0x88, $3  }
0x1: {  	(tag) =	ssettag $0x0;
	lr =	simm.s32 $0x1  }
0x2: {  	[smem:$0x3F9F] =	sst lr;
	_ =	strace $0xD0000000  }
0x3: {  	_ = 	snop  }
0x4: {  	_ = 	snop  }
0x5: {  	_ = 	snop  }
0x6: {  	_ = 	snop  }
0x7: {  	_ = 	snop  }
__scs_overlays_trampoline_lowered:
0x8: {  	[smem:$0x3FAE] =	sst s0  }
0x9: {  	[smem:$0x3FAF] =	sst s1  }
0xa: {  	[smem:$0x3FB0] =	sst s2  }
0xb: {  	[smem:$0x3FB1] =	sst s3  }
0xc: {  	[smem:$0x3FB2] =	sst s4  }
0xd: {  	[smem:$0x3FB3] =	sst s5  }
0xe: {  	[smem:$0x3FB4] =	sst s6  }
0xf: {  	[smem:$0x3FB5] =	sst s7  }
0x10: {  	[smem:$0x3FB6] =	sst s8  }
0x11: {  	[smem:$0x3FB7] =	sst s9;
	s0 =	simm.s32 @!p0 $0x0  }
0x12: {  	s1 =	sld [smem:$0x3F9D];
	s0 =	simm.s32 @p0 $0x1  }
0x13: {  	[smem:$0x3FB8] =	sst s0;
	s0 =	simm.s32 @!p1 $0x0  }
0x14: {  	s2 =	sld [smem:$0x3F9C];
	s0 =	simm.s32 @p1 $0x1  }
0x15: {  	[smem:$0x3FB9] =	sst s0;
	s0 =	simm.s32 @!p2 $0x0  }
0x16: {  	s3 =	sld [smem:$0x3FDB];
	s0 =	simm.s32 @p2 $0x1  }
0x17: {  	s4 =	simm.s32 $0x1BF5;
	[smem:$0x3FBB] =	sst s0  }
0x18: {  	s0 =	sld [smem:$0x3F9E];
	_ =	swait.ge [sflag:s4], $0x0  }
0x19: {  	s7 =	sld [smem:$0x3F9F]  }
0x1a: {  	s8 =	sadd.s32 $0xFFFFE003, lr  }
0x1b: {  	s9 =	sadd.s32 $0xFFFFFEF7, lr;
	s5 =	simm.s32 $0xFFFFFFFF;
	p2 =	slt.u32 s8, $0xFFFFF086  }
0x1c: {  	p1 =	slt.u32 s9, $0xF7A;
	s5 =	simm.s32 @!p2 $0x0  }
0x1d: {  	s5 =	simm.s32 @p1 $0x1;
	p0 =	seq.s32 s7, s2  }
0x1e: {  	s7 =	smul.u32 @!p0 $0xF7A, s2;
	p2 =	seq.s32 @!p0 s5, $0x0  }
0x1f: {  	s9 =	smul.u32 $0xF7A, s1;
	s8 =	simm.s32 @!p0 $0x1BF5;
	p2 =	por !p2, p0  }
0x20: {  	[sflag:s8] =	ssyncset.s32 @!p0 $0xFFFFF086;
	s6 =	sadd.s32 @!p0 s3, s7;
	s7 =	simm.s32 @!p0 $0x108  }
0x21: {  	s3 =	sadd.s32 s3, s9;
	s6 =	sadd.s32 @!p0 $0x88, s6;
	s7 =	simm.s32 @p2 $0x1082  }
0x22: {  	[simem:s7], [sflag:s8] =	dma.local @!p0 [hbm:s6], $0xF7A  }
0x23: {  	s9 =	sor.u32 $0xD0000000, s2;
	s6 =	simm.s32 $0x108;
	_ =	swait.ge @!p0 [sflag:s8], $0x0  }
0x24: {  	s3 =	sadd.s32 $0x88, s3;
	s6 =	simm.s32 @!p1 $0x1082;
	[sflag:s4] =	ssyncset.s32 $0xFFFFF086  }
0x25: {  	[simem:s6], [sflag:s4] =	dma.local [hbm:s3], $0xF7A  }
0x26: {  	[smem:$0x3F9F] =	sst s1;
	(tag) =	ssettag s2;
	_ =	strace s9  }
0x27: {  	s1 =	sld [smem:$0x3FAF]  }
0x28: {  	s2 =	sld [smem:$0x3FB0]  }
0x29: {  	s4 =	sld [smem:$0x3FB2]  }
0x2a: {  	p0 =	seq.s32 s5, $0x0;
	s5 =	sld [smem:$0x3FB3]  }
0x2b: {  	s6 =	sld [smem:$0x3FB4]  }
0x2c: {  	s7 =	sld [smem:$0x3FB5]  }
0x2d: {  	s3 =	simm.s32 $0x108;
	s8 =	sld [smem:$0x3FB6]  }
0x2e: {  	s3 =	simm.s32 @!p0 $0x1082;
	s9 =	sld [smem:$0x3FB7]  }
0x2f: {  	lr =	sadd.s32 s0, s3;
	s0 =	sld [smem:$0x3FAE]  }
0x30: {  	s3 =	sld [smem:$0x3FB1]  }
0x31: {  	[smem:$0x3FBA] =	sst s10  }
0x32: {  	s10 =	sld [smem:$0x3FB8];
	_ =	sdelay $0x3  }
0x33: {  	p0 =	seq.s32 s10, $0x1;
	s10 =	sld [smem:$0x3FBA];
	_ =	sdelay $0x3  }
0x34: {  	[smem:$0x3FBA] =	sst s10  }
0x35: {  	s10 =	sld [smem:$0x3FB9];
	_ =	sdelay $0x3  }
0x36: {  	p1 =	seq.s32 s10, $0x1;
	s10 =	sld [smem:$0x3FBA];
	_ =	sdelay $0x3  }
0x37: {  	[smem:$0x3FBA] =	sst s10  }
0x38: {  	s10 =	sld [smem:$0x3FBB]  }
0x39: {  	_ = 	snop;
	(pc) =	sbr.ind lr, $3  }
0x3a: {  	_ = 	snop  }
0x3b: {  	_ = 	snop  }
0x3c: {  	p2 =	seq.s32 s10, $0x1;
	s10 =	sld [smem:$0x3FBA]  }
0x3d: {  	_ =	shalt  }
0x3e: {  	_ =	shalt  }
0x3f: {  	_ =	shalt  }
0x40: {  	_ =	shalt  }
0x41: {  	_ =	shalt  }
0x42: {  	_ =	shalt  }
0x43: {  	_ =	shalt  }
0x44: {  	_ =	shalt  }
0x45: {  	_ =	shalt  }
0x46: {  	_ =	shalt  }
0x47: {  	_ =	shalt  }
0x48: {  	_ =	shalt  }
0x49: {  	_ =	shalt  }
0x4a: {  	_ =	shalt  }
0x4b: {  	_ =	shalt  }
0x4c: {  	_ =	shalt  }
0x4d: {  	_ =	shalt  }
0x4e: {  	_ =	shalt  }
0x4f: {  	_ =	shalt  }
0x50: {  	_ =	shalt  }
0x51: {  	_ =	shalt  }
0x52: {  	_ =	shalt  }
0x53: {  	_ =	shalt  }
0x54: {  	_ =	shalt  }
0x55: {  	_ =	shalt  }
0x56: {  	_ =	shalt  }
0x57: {  	_ =	shalt  }
0x58: {  	_ =	shalt  }
0x59: {  	_ =	shalt  }
0x5a: {  	_ =	shalt  }
0x5b: {  	_ =	shalt  }
0x5c: {  	_ =	shalt  }
0x5d: {  	_ =	shalt  }
0x5e: {  	_ =	shalt  }
0x5f: {  	_ =	shalt  }
0x60: {  	_ =	shalt  }
0x61: {  	_ =	shalt  }
0x62: {  	_ =	shalt  }
0x63: {  	_ =	shalt  }
0x64: {  	_ =	shalt  }
0x65: {  	_ =	shalt  }
0x66: {  	_ =	shalt  }
0x67: {  	_ =	shalt  }
0x68: {  	_ =	shalt  }
0x69: {  	_ =	shalt  }
0x6a: {  	_ =	shalt  }
0x6b: {  	_ =	shalt  }
0x6c: {  	_ =	shalt  }
0x6d: {  	_ =	shalt  }
0x6e: {  	_ =	shalt  }
0x6f: {  	_ =	shalt  }
0x70: {  	_ =	shalt  }
0x71: {  	_ =	shalt  }
0x72: {  	_ =	shalt  }
0x73: {  	_ =	shalt  }
0x74: {  	_ =	shalt  }
0x75: {  	_ =	shalt  }
0x76: {  	_ =	shalt  }
0x77: {  	_ =	shalt  }
0x78: {  	_ =	shalt  }
0x79: {  	_ =	shalt  }
0x7a: {  	_ =	shalt  }
0x7b: {  	_ =	shalt  }
0x7c: {  	_ =	shalt  }
0x7d: {  	_ =	shalt  }
0x7e: {  	_ =	shalt  }
0x7f: {  	_ =	shalt  }
0x80: {  	_ =	shalt  }
0x81: {  	_ =	shalt  }
0x82: {  	_ =	shalt  }
0x83: {  	_ =	shalt  }
0x84: {  	_ =	shalt  }
0x85: {  	_ =	shalt  }
0x86: {  	_ =	shalt  }
0x87: {  	_ =	shalt  }
.Lfunc_end0:
.L_simem_size_0:
called_computation.1_lowered:
.L_overlay_start_0:
0x88: {  	s2 =	sld [smem:$0x3FD9]  }
0x89: {  	s3 =	sld [smem:$0x3FFE];
	_ =	sdelay $0x1  }
0x8a: {  	s1 =	srdreg.scid  }
0x8b: {  	s0 =	sand.u32 $0x1, s1  }
0x8c: {  	s17 =	sshll.u32 s0, $0xA;
	s2 =	sadd.s32 s3, s2  }
0x8d: {  	s2 =	sadd.s32 s2, s17  }
0x8e: {  	[smem:$0x3FC6] =	sst s2  }
0x8f: {  	_ = 	snop  }
0x90: {  	s2 =	sld [smem:$0x3FD0];
	(tm) =	ssettm $0x1  }
0x91: {  	s18 =	sld [smem:$0x3FFB];
	_ =	sdelay $0x3  }
0x92: {  	_ =	strace s18  }
0x93: {  	s3 =	sld [smem:$0x3FFC];
	_ =	sdelay $0x3  }
0x94: {  	_ =	strace s3  }
0x95: {  	s3 =	sld [smem:$0x3FFD];
	_ =	sdelay $0x3  }
0x96: {  	_ =	strace s3  }
0x97: {  	_ =	strace $0x8FFFFFFF  }
0x98: {  	s19 =	sld [smem:$0x3FDB];
	_ =	sdelay $0x1  }
0x99: {  	s4 =	simm.s32 $_scs_section_size  }
0x9a: {  	s5 =	simm.s32 $_size__tile_overlayer_lowered;
	s6 =	simm.s32 $_tile_overlayer_lowered  }
0x9b: {  	s22 =	simm.s32 $0x1BFF;
	s21 =	sshll.u32 s6, $0x1;
	s3 =	sadd.s32 s4, s19  }
0x9c: {  	s7 =	simm.s32 $0x0;
	s20 =	sshll.u32 s5, $0x1;
	s5 =	sadd.s32 s21, s3  }
0x9d: {  	[timem:s7], [sflag:s22] =	dma.local [hbm:s5], s20  }
0x9e: {  	_ =	swait.ge [sflag:s22], s20  }
0x9f: {  	s4 =	ssub.s32 $0x0, s20;
	[sflag:s22] =	ssyncset.done $0x0  }
0xa0: {  	[sflag:s22] =	ssyncadd.s32 s4;
	_ =	sdelay $0x1  }
0xa1: {  	s23 =	simm.s32 $0x1B8B  }
0xa2: {  	_ =	swait.ge [sflag:s23], $0x1  }
0xa3: {  	[sflag:s23] =	ssyncset.done $0x0  }
0xa4: {  	s25 =	simm.s32 $0x1B8E;
	s24 =	sld [smem:$0x3FFE];
	[sflag:s23] =	ssyncadd.s32 $0xFFFFFFFF  }
0xa5: {  	s26 =	simm.s32 $execute0_lowered;
	[smem:$0x3FD2] =	sst s25  }
0xa6: {  	s5 =	sshll.u32 s26, $0x1;
	_ =	strace $0x80000046;
	[dreg:$0x1] =	wrdreg $0xFFFFFFFF  }
0xa7: {  	s28 =	simm.s32 $_size_execute0_lowered;
	s3 =	sadd.s32 s3, s5;
	[dreg:$0x0] =	wrdreg $0x0  }
0xa8: {  	s5 =	sshll.u32 s28, $0x1;
	[dreg:$0x2] =	wrdreg s3  }
0xa9: {  	[dreg:$0x3] =	wrdreg s5  }
0xaa: {  	[dreg:$0x4] =	wrdreg $0xC0  }
0xab: {  	_ =	task [dreg:s7], $0x5FFFF  }
0xac: {  	[dreg:$0x1] =	wrdreg $0xFFFFFFFF  }
0xad: {  	[dreg:$0x0] =	wrdreg $0x60  }
0xae: {  	[dreg:$0x2] =	wrdreg s24  }
0xaf: {  	[dreg:$0x3] =	wrdreg s2  }
0xb0: {  	[dreg:$0x4] =	wrdreg $0x9  }
0xb1: {  	_ =	task.clear_ibuf [dreg:s7], $0x5FFFF;
	_ =	strace $0x90000046  }
0xb2: {  	s29 =	simm.s32 $0x9;
	_ =	strace $0x80000048  }
0xb3: {  	_ =	swait.ge [sflag:s29], $0x1  }
0xb4: {  	[sflag:s29] =	ssyncadd.s32 $0xFFFFFFFF  }
0xb5: {  	_ =	strace $0x90000048  }
0xb6: {  	_ =	sfence  }
0xb7: {  	s30 =	sld [smem:$0x0];
	_ =	sdelay $0x2  }
0xb8: {  	s31 =	sshll.u32 s1, $0xD;
	s1 =	sshrl.u32 s1, $0x2  }
0xb9: {  	s3 =	sand.u32 $0x4000, s31;
	s1 =	sadd.s32 s1, s30  }
0xba: {  	s0 =	sor.u32 s3, s0;
	s1 =	sshll.u32 s1, $0x11  }
0xbb: {  	s0 =	sor.u32 s1, s0  }
0xbc: {  	s0 =	sadd.s32 $0x8F2B, s0  }
0xbd: {  	[sflag:s0] =	ssyncadd.remote.s32 $0x1  }
0xbe: {  	_ =	sfence.sel $0xFFFF  }
0xbf: {  	[dreg:$0x0] =	wrdreg $0xFFFFFFFF;
	(pc) =	sbr.abs _section_cstart, $3  }
0xc0: {  	[dreg:$0x1] =	wrdreg $0xFFFFFFFF  }
0xc1: {  	_ =	task.clear_ibuf [dreg:s7], $0x2FFFF;
	_ =	strace $0x9FFFFFFF  }
0xc2: {  	(tm) =	ssettm $0x7FFFFFFF  }
0xc3: {  	_ =	shalt  }
tec
execute0_lowered:
.L_overlay_start_1:
0x0: {  	(tag) =	ssettag $0x1  }
0x1: {  	s0 =	rddreg [dreg:$0x0];
	s11 =	stileid.u32  }
0x2: {  	s3 =	srdreg.scid;
	s15 =	smul.u32 $0x640, s11  }
0x3: {  	s1 =	rddreg [dreg:$0x1];
	s4 =	sand.u32 $0x1, s3;
	s26 =	smul.u32 $0x190000, s11  }
0x4: {  	s2 =	simm.s32 $0x0;
	s30 =	sshll.u32 s11, $0x1;
	s18 =	smul.u32 $0x320, s4  }
0x5: {  	s5 =	sor.u32 s4, s30;
	s6 =	ssub.s32 $0x2, s4;
	s4 =	smul.u32 $0xC8000, s4  }
0x6: {  	s28 =	simm.s32 $0x8600;
	[smem:$0x7FF] =	sst s2;
	s7 =	smul.u32 $0x3200, s5  }
0x7: {  	s8 =	sadd.s32 $0x800, s0;
	s3 =	sadd.s32 $0x64800, s0;
	s10 =	smul.u32 $0x640000, s5  }
0x8: {  	_ =	strace $0x80000047;
	s9 =	sshrl.u32 s6, $0x1;
	s5 =	smul.u32 $0x19000, s5  }
0x9: {  	s31 =	ssub.s32 s6, s9;
	s7 =	sadd.s32 s8, s7;
	s14 =	sshrl.u32 s10, $0x3  }
0xa: {  	s17 =	sadd.s32 $0x18C00, s5;
	s5 =	sadd.s32 $0x18E00, s5;
	s0 =	smax.u32 s31, $0x1  }
0xb: {  	s13 =	sadd.s32 $0x40, s7;
	[dreg:$0x6] =	wrdreg s7;
	s7 =	sadd.s32 $0x80, s7  }
0xc: {  	s6 =	sadd.s32 s1, s14;
	s19 =	sshrl.u32 s17, $0x3;
	s20 =	sshll.u32 s17, $0x3  }
0xd: {  	s22 =	sshrl.u32 s5, $0x3;
	s5 =	sshll.u32 s5, $0x3;
	[dreg:$0x10] =	wrdreg s0  }
0xe: {  	s14 =	simm.s32 $0x4;
	s17 =	simm.s32 $0x3;
	[dreg:$0x7] =	wrdreg s13  }
0xf: {  	[dreg:$0x8] =	wrdreg s7;
	s16 =	sadd.s32 $0xC3000, s6;
	s12 =	sadd.s32 $0xC4000, s6  }
0x10: {  	s6 =	sadd.s32 $0xC5000, s6;
	s7 =	sadd.s32 s18, s15;
	[dreg:$0x9] =	wrdreg s16  }
0x11: {  	s5 =	sadd.s32 s1, s5;
	s18 =	simm.s32 $0x7;
	[dreg:$0xa] =	wrdreg s12  }
0x12: {  	s13 =	simm.s32 $0x1;
	s15 =	simm.s32 $0x2;
	[dreg:$0xb] =	wrdreg s6  }
0x13: {  	s6 =	sadd.s32 s8, s19;
	s21 =	sshll.u32 s7, $0x4;
	[dreg:$0xf] =	wrdreg s5  }
0x14: {  	s24 =	sshll.u32 s7, $0xA;
	s19 =	simm.s32 $0x80;
	s7 =	simm.s32 $0x10600  }
0x15: {  	s5 =	simm.s32 $0x500;
	s16 =	simm.s32 $0x5;
	[dreg:$0xc] =	wrdreg s6  }
0x16: {  	s6 =	sadd.s32 s1, s20;
	s0 =	sadd.s32 s24, s1;
	s1 =	sadd.s32 s26, s1  }
0x17: {  	[dreg:$0xd] =	wrdreg s6;
	s6 =	sadd.s32 s21, s8;
	s8 =	sadd.s32 s8, s22  }
0x18: {  	s20 =	simm.s32 $0x600;
	s29 =	sadd.s32 $0x2000, s0;
	[dreg:$0xe] =	wrdreg s8  }
0x19: {  	s26 =	simm.s32 $0x200;
	s0 =	sadd.s32 $0x1000, s0;
	[dreg:$0x11] =	wrdreg s29  }
0x1a: {  	s31 =	sadd.s32 s4, s1;
	s1 =	simm.s32 $0x480;
	[dreg:$0x12] =	wrdreg s0  }
0x1b: {  	s4 =	simm.s32 $0x12600;
	s23 =	sadd.s32 $0x140, s6;
	[dreg:$0x13] =	wrdreg s31  }
0x1c: {  	s21 =	simm.s32 $0x6;
	s25 =	sadd.s32 $0x100, s6;
	[dreg:$0x3] =	wrdreg s23  }
0x1d: {  	s30 =	sadd.s32 $0xC0, s6;
	s6 =	simm.s32 $0x400;
	[dreg:$0x4] =	wrdreg s25  }
0x1e: {  	s8 =	simm.s32 $0x14600;
	s0 =	simm.s32 $0x0;
	[dreg:$0x5] =	wrdreg s30  }
.LBB2_1:
0x1f: {  	[dreg:$0x14] =	wrdreg s0  }
0x20: {  	s22 =	rddreg [dreg:$0x6]  }
0x21: {  	[tilespmem:s2], [sflag:$0x7] =	stream.linear.gather [hbm4b:s22+s2], $0x200, $0x38;
	[tilespmem:$0x18600] =	vst v63  }
0x22: {  	_ =	swait.ge [sflag:s18], $0x200  }
0x23: {  	[sflag:s18] =	ssyncset.done $0x0  }
0x24: {  	[sflag:s18] =	ssyncadd.s32 $0xFFFFFE00  }
0x25: {  	[tilespmem:s20], [sflag:$0x1] =	stream.indirect.gather [hbm4b:s3+s19], $0x40, s2, s19, $0xb8;
	[tilespmem:$0x18600] =	vst v63  }
0x26: {  	s0 =	simm.s32 $0x2600  }
0x27: {  	[tilespmem:s0], [sflag:$0x1] =	stream.indirect.gather [hbm4b:s3+s19], $0x40, s19, s19, $0xb8;
	[tilespmem:$0x18600] =	vst v63  }
0x28: {  	s24 =	simm.s32 $0x100;
	s29 =	simm.s32 $0x4600  }
0x29: {  	[tilespmem:s29], [sflag:$0x1] =	stream.indirect.gather [hbm4b:s3+s19], $0x40, s24, s19, $0xb8;
	[tilespmem:$0x18600] =	vst v63  }
0x2a: {  	s30 =	simm.s32 $0x180;
	s23 =	simm.s32 $0x6600  }
0x2b: {  	[tilespmem:s23], [sflag:$0x1] =	stream.indirect.gather [hbm4b:s3+s19], $0x40, s30, s19, $0xb8;
	[tilespmem:$0x18600] =	vst v63  }
0x2c: {  	s12 =	rddreg [dreg:$0x7]  }
0x2d: {  	[tilespmem:s26], [sflag:$0x7] =	stream.linear.gather [hbm4b:s12+s2], $0x200, $0x38;
	[tilespmem:$0x18600] =	vst v63  }
0x2e: {  	_ =	swait.ge [sflag:s18], $0x200  }
0x2f: {  	[sflag:s18] =	ssyncset.done $0x0  }
0x30: {  	[sflag:s18] =	ssyncadd.s32 $0xFFFFFE00  }
0x31: {  	[tilespmem:s28], [sflag:$0x2] =	stream.indirect.gather [hbm4b:s3+s19], $0x40, s26, s19, $0xb8;
	[tilespmem:$0x18600] =	vst v63  }
0x32: {  	s11 =	simm.s32 $0x280;
	s31 =	simm.s32 $0xA600  }
0x33: {  	[tilespmem:s31], [sflag:$0x2] =	stream.indirect.gather [hbm4b:s3+s19], $0x40, s11, s19, $0xb8;
	[tilespmem:$0x18600] =	vst v63  }
0x34: {  	s9 =	simm.s32 $0xC600;
	s12 =	simm.s32 $0x300  }
0x35: {  	[tilespmem:s9], [sflag:$0x2] =	stream.indirect.gather [hbm4b:s3+s19], $0x40, s12, s19, $0xb8;
	[tilespmem:$0x18600] =	vst v63  }
0x36: {  	s10 =	simm.s32 $0xE600;
	s22 =	simm.s32 $0x380  }
0x37: {  	[tilespmem:s10], [sflag:$0x2] =	stream.indirect.gather [hbm4b:s3+s19], $0x40, s22, s19, $0xb8;
	[tilespmem:$0x18600] =	vst v63  }
0x38: {  	s25 =	rddreg [dreg:$0x8]  }
0x39: {  	[tilespmem:s6], [sflag:$0x7] =	stream.linear.gather [hbm4b:s25+s2], $0x200, $0x38;
	[tilespmem:$0x18600] =	vst v63  }
0x3a: {  	_ =	swait.ge [sflag:s18], $0x200  }
0x3b: {  	[sflag:s18] =	ssyncset.done $0x0  }
0x3c: {  	[sflag:s18] =	ssyncadd.s32 $0xFFFFFE00  }
0x3d: {  	[tilespmem:s7], [sflag:$0x3] =	stream.indirect.gather [hbm4b:s3+s19], $0x40, s6, s19, $0xb8;
	[tilespmem:$0x18600] =	vst v63  }
0x3e: {  	_ = 	snop  }
0x3f: {  	[tilespmem:s4], [sflag:$0x3] =	stream.indirect.gather [hbm4b:s3+s19], $0x40, s1, s19, $0xb8;
	[tilespmem:$0x18600] =	vst v63  }
0x40: {  	_ = 	snop  }
0x41: {  	[tilespmem:s8], [sflag:$0x3] =	stream.indirect.gather [hbm4b:s3+s19], $0x40, s5, s19, $0xb8;
	[tilespmem:$0x18600] =	vst v63  }
0x42: {  	s4 =	simm.s32 $0x580;
	s5 =	simm.s32 $0x16600  }
0x43: {  	[tilespmem:s5], [sflag:$0x3] =	stream.indirect.gather [hbm4b:s3+s19], $0x40, s4, s19, $0xb8;
	[tilespmem:$0x18600] =	vst v63  }
0x44: {  	_ =	swait.ge [sflag:s13], $0x8000  }
0x45: {  	[sflag:s13] =	ssyncset.done $0x0;
	s9 =	rddreg [dreg:$0x5]  }
0x46: {  	s25 =	rddreg [dreg:$0x13];
	[sflag:s13] =	ssyncadd.s32 $0xFFFF8000  }
0x47: {  	[hbm4b:s25+s2] =	stream.linear.scatter [tilespmem:s20], [sflag:$0x4], $0x8000, $0x38;
	[tilespmem:$0x18600] =	vst v63  }
0x48: {  	s22 =	sadd.s32 $0x0, s9  }
0x49: {  	[tilespmem:s2], [sflag:$0x7] =	stream.linear.gather [hbm4b:s22+s2], $0x200, $0x38;
	[tilespmem:$0x18600] =	vst v63  }
0x4a: {  	_ =	swait.ge [sflag:s18], $0x200  }
0x4b: {  	[sflag:s18] =	ssyncset.done $0x0  }
0x4c: {  	[sflag:s18] =	ssyncadd.s32 $0xFFFFFE00  }
0x4d: {  	_ =	swait.ge [sflag:s14], $0x8000  }
0x4e: {  	[sflag:s14] =	ssyncset.done $0x0  }
0x4f: {  	[sflag:s14] =	ssyncadd.s32 $0xFFFF8000  }
0x50: {  	[tilespmem:s20], [sflag:$0x1] =	stream.indirect.gather [hbm4b:s3+s19], $0x40, s2, s19, $0xb8;
	[tilespmem:$0x18600] =	vst v63  }
0x51: {  	_ = 	snop  }
0x52: {  	[tilespmem:s0], [sflag:$0x1] =	stream.indirect.gather [hbm4b:s3+s19], $0x40, s19, s19, $0xb8;
	[tilespmem:$0x18600] =	vst v63  }
0x53: {  	_ = 	snop  }
0x54: {  	[tilespmem:s29], [sflag:$0x1] =	stream.indirect.gather [hbm4b:s3+s19], $0x40, s24, s19, $0xb8;
	[tilespmem:$0x18600] =	vst v63  }
0x55: {  	_ = 	snop  }
0x56: {  	[tilespmem:s23], [sflag:$0x1] =	stream.indirect.gather [hbm4b:s3+s19], $0x40, s30, s19, $0xb8;
	[tilespmem:$0x18600] =	vst v63  }
0x57: {  	_ =	swait.ge [sflag:s15], $0x8000  }
0x58: {  	[sflag:s15] =	ssyncset.done $0x0;
	s10 =	rddreg [dreg:$0x4]  }
0x59: {  	s24 =	rddreg [dreg:$0x12];
	[sflag:s15] =	ssyncadd.s32 $0xFFFF8000  }
0x5a: {  	[hbm4b:s24+s2] =	stream.linear.scatter [tilespmem:s28], [sflag:$0x5], $0x8000, $0x38;
	[tilespmem:$0x18600] =	vst v63  }
0x5b: {  	s22 =	sadd.s32 $0x0, s10  }
0x5c: {  	[tilespmem:s26], [sflag:$0x7] =	stream.linear.gather [hbm4b:s22+s2], $0x200, $0x38;
	[tilespmem:$0x18600] =	vst v63  }
0x5d: {  	_ =	swait.ge [sflag:s18], $0x200  }
0x5e: {  	[sflag:s18] =	ssyncset.done $0x0  }
0x5f: {  	[sflag:s18] =	ssyncadd.s32 $0xFFFFFE00  }
0x60: {  	_ =	swait.ge [sflag:s16], $0x8000  }
0x61: {  	[sflag:s16] =	ssyncset.done $0x0  }
0x62: {  	[sflag:s16] =	ssyncadd.s32 $0xFFFF8000  }
0x63: {  	[tilespmem:s28], [sflag:$0x2] =	stream.indirect.gather [hbm4b:s3+s19], $0x40, s26, s19, $0xb8;
	[tilespmem:$0x18600] =	vst v63  }
0x64: {  	_ = 	snop  }
0x65: {  	[tilespmem:s31], [sflag:$0x2] =	stream.indirect.gather [hbm4b:s3+s19], $0x40, s11, s19, $0xb8;
	[tilespmem:$0x18600] =	vst v63  }
0x66: {  	s23 =	simm.s32 $0xC600  }
0x67: {  	[tilespmem:s23], [sflag:$0x2] =	stream.indirect.gather [hbm4b:s3+s19], $0x40, s12, s19, $0xb8;
	[tilespmem:$0x18600] =	vst v63  }
0x68: {  	s29 =	simm.s32 $0x380;
	s30 =	simm.s32 $0xE600  }
0x69: {  	[tilespmem:s30], [sflag:$0x2] =	stream.indirect.gather [hbm4b:s3+s19], $0x40, s29, s19, $0xb8;
	[tilespmem:$0x18600] =	vst v63  }
0x6a: {  	_ =	swait.ge [sflag:s17], $0x8000  }
0x6b: {  	[sflag:s17] =	ssyncset.done $0x0;
	s29 =	rddreg [dreg:$0x3]  }
0x6c: {  	s30 =	rddreg [dreg:$0x11];
	[sflag:s17] =	ssyncadd.s32 $0xFFFF8000  }
0x6d: {  	[hbm4b:s30+s2] =	stream.linear.scatter [tilespmem:s7], [sflag:$0x6], $0x8000, $0x38;
	[tilespmem:$0x18600] =	vst v63  }
0x6e: {  	s22 =	sadd.s32 $0x0, s29  }
0x6f: {  	[tilespmem:s6], [sflag:$0x7] =	stream.linear.gather [hbm4b:s22+s2], $0x200, $0x38;
	[tilespmem:$0x18600] =	vst v63  }
0x70: {  	_ =	swait.ge [sflag:s18], $0x200  }
0x71: {  	[sflag:s18] =	ssyncset.done $0x0  }
0x72: {  	s1 =	simm.s32 $0x500;
	[sflag:s18] =	ssyncadd.s32 $0xFFFFFE00  }
0x73: {  	s5 =	simm.s32 $0x480;
	s4 =	simm.s32 $0xC600;
	_ =	swait.ge [sflag:s21], $0x8000  }
0x74: {  	s9 =	simm.s32 $0x280;
	s25 =	sadd.s32 $0x3000, s25;
	[sflag:s21] =	ssyncset.done $0x0  }
0x75: {  	s0 =	simm.s32 $0xE600;
	s10 =	simm.s32 $0xA600;
	[sflag:s21] =	ssyncadd.s32 $0xFFFF8000  }
0x76: {  	[tilespmem:s7], [sflag:$0x3] =	stream.indirect.gather [hbm4b:s3+s19], $0x40, s6, s19, $0xb8;
	[tilespmem:$0x18600] =	vst v63  }
0x77: {  	s24 =	sadd.s32 $0x3000, s24;
	s11 =	simm.s32 $0x300;
	s31 =	simm.s32 $0x12600  }
0x78: {  	[tilespmem:s31], [sflag:$0x3] =	stream.indirect.gather [hbm4b:s3+s19], $0x40, s5, s19, $0xb8;
	[tilespmem:$0x18600] =	vst v63  }
0x79: {  	s12 =	simm.s32 $0x380;
	s23 =	sadd.s32 $0x3000, s30;
	s22 =	simm.s32 $0xC0  }
0x7a: {  	[tilespmem:s8], [sflag:$0x3] =	stream.indirect.gather [hbm4b:s3+s19], $0x40, s1, s19, $0xb8;
	[tilespmem:$0x18600] =	vst v63  }
.LBB2_2:
0x7b: {  	s8 =	simm.s32 $0x580;
	s29 =	simm.s32 $0x16600  }
0x7c: {  	[tilespmem:s29], [sflag:$0x3] =	stream.indirect.gather [hbm4b:s3+s19], $0x40, s8, s19, $0xb8;
	[tilespmem:$0x18600] =	vst v63  }
0x7d: {  	_ =	swait.ge [sflag:s13], $0x8000  }
0x7e: {  	[sflag:s13] =	ssyncset.done $0x0  }
0x7f: {  	s29 =	smov.u32 s22;
	s30 =	rddreg [dreg:$0x5];
	[sflag:s13] =	ssyncadd.s32 $0xFFFF8000  }
0x80: {  	[hbm4b:s25+s2] =	stream.linear.scatter [tilespmem:s20], [sflag:$0x4], $0x8000, $0x38;
	[tilespmem:$0x18600] =	vst v63  }
0x81: {  	s30 =	sadd.s32 s29, s30  }
0x82: {  	[tilespmem:s2], [sflag:$0x7] =	stream.linear.gather [hbm4b:s30+s2], $0x200, $0x38;
	[tilespmem:$0x18600] =	vst v63  }
0x83: {  	_ =	swait.ge [sflag:s18], $0x200  }
0x84: {  	[sflag:s18] =	ssyncset.done $0x0  }
0x85: {  	[sflag:s18] =	ssyncadd.s32 $0xFFFFFE00  }
0x86: {  	_ =	swait.ge [sflag:s14], $0x8000  }
0x87: {  	[sflag:s14] =	ssyncset.done $0x0  }
0x88: {  	[sflag:s14] =	ssyncadd.s32 $0xFFFF8000  }
0x89: {  	[tilespmem:s20], [sflag:$0x1] =	stream.indirect.gather [hbm4b:s3+s19], $0x40, s2, s19, $0xb8;
	[tilespmem:$0x18600] =	vst v63  }
0x8a: {  	s8 =	simm.s32 $0x2600  }
0x8b: {  	[tilespmem:s8], [sflag:$0x1] =	stream.indirect.gather [hbm4b:s3+s19], $0x40, s19, s19, $0xb8;
	[tilespmem:$0x18600] =	vst v63  }
0x8c: {  	s30 =	simm.s32 $0x100;
	s8 =	simm.s32 $0x4600  }
0x8d: {  	[tilespmem:s8], [sflag:$0x1] =	stream.indirect.gather [hbm4b:s3+s19], $0x40, s30, s19, $0xb8;
	[tilespmem:$0x18600] =	vst v63  }
0x8e: {  	s30 =	simm.s32 $0x180;
	s8 =	simm.s32 $0x6600  }
0x8f: {  	[tilespmem:s8], [sflag:$0x1] =	stream.indirect.gather [hbm4b:s3+s19], $0x40, s30, s19, $0xb8;
	[tilespmem:$0x18600] =	vst v63  }
0x90: {  	_ =	swait.ge [sflag:s15], $0x8000  }
0x91: {  	[sflag:s15] =	ssyncset.done $0x0  }
0x92: {  	s30 =	rddreg [dreg:$0x4];
	[sflag:s15] =	ssyncadd.s32 $0xFFFF8000  }
0x93: {  	[hbm4b:s24+s2] =	stream.linear.scatter [tilespmem:s28], [sflag:$0x5], $0x8000, $0x38;
	[tilespmem:$0x18600] =	vst v63  }
0x94: {  	s30 =	sadd.s32 s29, s30  }
0x95: {  	[tilespmem:s26], [sflag:$0x7] =	stream.linear.gather [hbm4b:s30+s2], $0x200, $0x38;
	[tilespmem:$0x18600] =	vst v63  }
0x96: {  	_ =	swait.ge [sflag:s18], $0x200  }
0x97: {  	[sflag:s18] =	ssyncset.done $0x0  }
0x98: {  	[sflag:s18] =	ssyncadd.s32 $0xFFFFFE00  }
0x99: {  	_ =	swait.ge [sflag:s16], $0x8000  }
0x9a: {  	[sflag:s16] =	ssyncset.done $0x0  }
0x9b: {  	[sflag:s16] =	ssyncadd.s32 $0xFFFF8000  }
0x9c: {  	[tilespmem:s28], [sflag:$0x2] =	stream.indirect.gather [hbm4b:s3+s19], $0x40, s26, s19, $0xb8;
	[tilespmem:$0x18600] =	vst v63  }
0x9d: {  	_ = 	snop  }
0x9e: {  	[tilespmem:s10], [sflag:$0x2] =	stream.indirect.gather [hbm4b:s3+s19], $0x40, s9, s19, $0xb8;
	[tilespmem:$0x18600] =	vst v63  }
0x9f: {  	_ = 	snop  }
0xa0: {  	[tilespmem:s4], [sflag:$0x2] =	stream.indirect.gather [hbm4b:s3+s19], $0x40, s11, s19, $0xb8;
	[tilespmem:$0x18600] =	vst v63  }
0xa1: {  	_ = 	snop  }
0xa2: {  	[tilespmem:s0], [sflag:$0x2] =	stream.indirect.gather [hbm4b:s3+s19], $0x40, s12, s19, $0xb8;
	[tilespmem:$0x18600] =	vst v63  }
0xa3: {  	_ =	swait.ge [sflag:s17], $0x8000  }
0xa4: {  	[sflag:s17] =	ssyncset.done $0x0  }
0xa5: {  	s30 =	rddreg [dreg:$0x3];
	[sflag:s17] =	ssyncadd.s32 $0xFFFF8000  }
0xa6: {  	[hbm4b:s23+s2] =	stream.linear.scatter [tilespmem:s7], [sflag:$0x6], $0x8000, $0x38;
	[tilespmem:$0x18600] =	vst v63  }
0xa7: {  	s29 =	sadd.s32 s29, s30  }
0xa8: {  	[tilespmem:s6], [sflag:$0x7] =	stream.linear.gather [hbm4b:s29+s2], $0x200, $0x38;
	[tilespmem:$0x18600] =	vst v63  }
0xa9: {  	_ =	swait.ge [sflag:s18], $0x200  }
0xaa: {  	[sflag:s18] =	ssyncset.done $0x0  }
0xab: {  	[sflag:s18] =	ssyncadd.s32 $0xFFFFFE00  }
0xac: {  	_ =	swait.ge [sflag:s21], $0x8000  }
0xad: {  	[sflag:s21] =	ssyncset.done $0x0  }
0xae: {  	p0 =	sne.s32 s22, $0x3000;
	[sflag:s21] =	ssyncadd.s32 $0xFFFF8000  }
0xaf: {  	[tilespmem:s7], [sflag:$0x3] =	stream.indirect.gather [hbm4b:s3+s19], $0x40, s6, s19, $0xb8;
	[tilespmem:$0x18600] =	vst v63  }
.Ltmp0:
0xb0: {  	_ = 	snop;
	(pc) =	sbr.rel @p0 .LBB2_2-.Ltmp0, $4  }
0xb1: {  	s22 =	sadd.s32 $0xC0, s22;
	s25 =	sadd.s32 $0x3000, s25  }
0xb2: {  	[tilespmem:s31], [sflag:$0x3] =	stream.indirect.gather [hbm4b:s3+s19], $0x40, s5, s19, $0xb8;
	[tilespmem:$0x18600] =	vst v63  }
0xb3: {  	s8 =	simm.s32 $0x14600;
	s24 =	sadd.s32 $0x3000, s24;
	s23 =	sadd.s32 $0x3000, s23  }
0xb4: {  	[tilespmem:s8], [sflag:$0x3] =	stream.indirect.gather [hbm4b:s3+s19], $0x40, s1, s19, $0xb8;
	[tilespmem:$0x18600] =	vst v63  }
0xb5: {  	s1 =	simm.s32 $0x580;
	s5 =	simm.s32 $0x16600  }
0xb6: {  	[tilespmem:s5], [sflag:$0x3] =	stream.indirect.gather [hbm4b:s3+s19], $0x40, s1, s19, $0xb8;
	[tilespmem:$0x18600] =	vst v63  }
0xb7: {  	_ =	swait.ge [sflag:s13], $0x8000  }
0xb8: {  	[sflag:s13] =	ssyncset.done $0x0  }
0xb9: {  	s22 =	rddreg [dreg:$0x9];
	[sflag:s13] =	ssyncadd.s32 $0xFFFF8000  }
0xba: {  	[hbm4b:s22+s2] =	stream.linear.scatter [tilespmem:s20], [sflag:$0x7], $0x8000, $0x38;
	[tilespmem:$0x18600] =	vst v63  }
0xbb: {  	_ =	swait.ge [sflag:s18], $0x8000  }
0xbc: {  	[sflag:s18] =	ssyncset.done $0x0  }
0xbd: {  	[sflag:s18] =	ssyncadd.s32 $0xFFFF8000  }
0xbe: {  	_ =	swait.ge [sflag:s15], $0x8000  }
0xbf: {  	[sflag:s15] =	ssyncset.done $0x0  }
0xc0: {  	s25 =	rddreg [dreg:$0xa];
	[sflag:s15] =	ssyncadd.s32 $0xFFFF8000  }
0xc1: {  	[hbm4b:s25+s2] =	stream.linear.scatter [tilespmem:s28], [sflag:$0x7], $0x8000, $0x38;
	[tilespmem:$0x18600] =	vst v63  }
0xc2: {  	_ =	swait.ge [sflag:s18], $0x8000  }
0xc3: {  	[sflag:s18] =	ssyncset.done $0x0  }
0xc4: {  	[sflag:s18] =	ssyncadd.s32 $0xFFFF8000  }
0xc5: {  	_ =	swait.ge [sflag:s17], $0x8000  }
0xc6: {  	[sflag:s17] =	ssyncset.done $0x0  }
0xc7: {  	s29 =	rddreg [dreg:$0xb];
	[sflag:s17] =	ssyncadd.s32 $0xFFFF8000  }
0xc8: {  	[hbm4b:s29+s2] =	stream.linear.scatter [tilespmem:s7], [sflag:$0x7], $0x8000, $0x38;
	[tilespmem:$0x18600] =	vst v63  }
0xc9: {  	_ =	swait.ge [sflag:s18], $0x8000  }
0xca: {  	[sflag:s18] =	ssyncset.done $0x0  }
0xcb: {  	s30 =	rddreg [dreg:$0xc];
	[sflag:s18] =	ssyncadd.s32 $0xFFFF8000  }
0xcc: {  	[tilespmem:s2], [sflag:$0x7] =	stream.linear.gather [hbm4b:s30+s2], $0x200, $0x38;
	[tilespmem:$0x18600] =	vst v63  }
0xcd: {  	_ =	swait.ge [sflag:s18], $0x200  }
0xce: {  	[sflag:s18] =	ssyncset.done $0x0  }
0xcf: {  	[sflag:s18] =	ssyncadd.s32 $0xFFFFFE00  }
0xd0: {  	[tilespmem:s20], [sflag:$0x1] =	stream.indirect.gather [hbm4b:s3+s19], $0x40, s2, s19, $0xb8;
	[tilespmem:$0x18600] =	vst v63  }
0xd1: {  	s31 =	simm.s32 $0x2600  }
0xd2: {  	[tilespmem:s31], [sflag:$0x1] =	stream.indirect.gather [hbm4b:s3+s19], $0x40, s19, s19, $0xb8;
	[tilespmem:$0x18600] =	vst v63  }
0xd3: {  	s1 =	simm.s32 $0x100;
	s5 =	simm.s32 $0x4600  }
0xd4: {  	[tilespmem:s5], [sflag:$0x1] =	stream.indirect.gather [hbm4b:s3+s19], $0x40, s1, s19, $0xb8;
	[tilespmem:$0x18600] =	vst v63  }
0xd5: {  	s23 =	simm.s32 $0x6600;
	s22 =	simm.s32 $0x180  }
0xd6: {  	[tilespmem:s23], [sflag:$0x1] =	stream.indirect.gather [hbm4b:s3+s19], $0x40, s22, s19, $0xb8;
	[tilespmem:$0x18600] =	vst v63  }
0xd7: {  	_ =	swait.ge [sflag:s13], $0x8000  }
0xd8: {  	[sflag:s13] =	ssyncset.done $0x0  }
0xd9: {  	s24 =	rddreg [dreg:$0xd];
	[sflag:s13] =	ssyncadd.s32 $0xFFFF8000  }
0xda: {  	[hbm4b:s24+s2] =	stream.linear.scatter [tilespmem:s20], [sflag:$0x7], $0x8000, $0x38;
	[tilespmem:$0x18600] =	vst v63  }
0xdb: {  	_ =	swait.ge [sflag:s18], $0x8000  }
0xdc: {  	[sflag:s18] =	ssyncset.done $0x0  }
0xdd: {  	s25 =	rddreg [dreg:$0xe];
	[sflag:s18] =	ssyncadd.s32 $0xFFFF8000  }
0xde: {  	[tilespmem:s26], [sflag:$0x7] =	stream.linear.gather [hbm4b:s25+s2], $0x200, $0x38;
	[tilespmem:$0x18600] =	vst v63  }
0xdf: {  	_ =	swait.ge [sflag:s18], $0x200  }
0xe0: {  	[sflag:s18] =	ssyncset.done $0x0  }
0xe1: {  	[sflag:s18] =	ssyncadd.s32 $0xFFFFFE00  }
0xe2: {  	[tilespmem:s28], [sflag:$0x2] =	stream.indirect.gather [hbm4b:s3+s19], $0x40, s26, s19, $0xb8;
	[tilespmem:$0x18600] =	vst v63  }
0xe3: {  	_ = 	snop  }
0xe4: {  	[tilespmem:s10], [sflag:$0x2] =	stream.indirect.gather [hbm4b:s3+s19], $0x40, s9, s19, $0xb8;
	[tilespmem:$0x18600] =	vst v63  }
0xe5: {  	_ = 	snop  }
0xe6: {  	[tilespmem:s4], [sflag:$0x2] =	stream.indirect.gather [hbm4b:s3+s19], $0x40, s11, s19, $0xb8;
	[tilespmem:$0x18600] =	vst v63  }
0xe7: {  	_ = 	snop  }
0xe8: {  	[tilespmem:s0], [sflag:$0x2] =	stream.indirect.gather [hbm4b:s3+s19], $0x40, s12, s19, $0xb8;
	[tilespmem:$0x18600] =	vst v63  }
0xe9: {  	_ =	swait.ge [sflag:s15], $0x8000  }
0xea: {  	[sflag:s15] =	ssyncset.done $0x0  }
0xeb: {  	s29 =	rddreg [dreg:$0xf];
	[sflag:s15] =	ssyncadd.s32 $0xFFFF8000  }
0xec: {  	[hbm4b:s29+s2] =	stream.linear.scatter [tilespmem:s28], [sflag:$0x7], $0x8000, $0x38;
	[tilespmem:$0x18600] =	vst v63  }
0xed: {  	_ =	swait.ge [sflag:s18], $0x8000  }
0xee: {  	s30 =	rddreg [dreg:$0x14]  }
0xef: {  	s31 =	rddreg [dreg:$0x10];
	s0 =	sadd.s32 $0x1, s30  }
0xf0: {  	p0 =	sne.s32 s0, s31  }
.Ltmp1:
0xf1: {  	_ = 	snop;
	(pc) =	sbr.rel @p0 .LBB2_1-.Ltmp1, $3  }
0xf2: {  	_ =	sdelay $0x1  }
0xf3: {  	s1 =	simm.s32 $0x480;
	[sflag:s18] =	ssyncset.done $0x0  }
0xf4: {  	s5 =	simm.s32 $0x500;
	s4 =	simm.s32 $0x12600;
	[sflag:s18] =	ssyncadd.s32 $0xFFFF8000  }
0xf5: {  	_ =	sfence.sel $0x180000  }
0xf6: {  	[bflag:$0x0] =	sbarrier.arrive $0xFFFF  }
0xf7: {  	_ =	strace $0x90000047  }
0xf8: {  	s0 =	stileid.u32;
	[bflag:$0x2] =	sbarrier.arrive $0xFFFF  }
0xf9: {  	p0 =	sne.s32 s0, $0x0;
	s0 =	rddreg [dreg:$0x2]  }
0xfa: {  	s0 =	sadd.s32 @!p0 $0x100000, s0  }
0xfb: {  	[sflag:s0] =	ssyncadd.tile.s32 @!p0 $0x1;
	_ =	shalt  }
.Lfunc_end2:
_tile_overlayer_lowered:
.L_overlay_start_2:
0xfc: {  	(tag) =	ssettag $0x2  }
0xfd: {  	s0 =	rddreg [dreg:$0x0];
	s2 =	stileid.u32  }
0xfe: {  	s1 =	rddreg [dreg:$0x1];
	p0 =	sne.s32 s2, $0x0  }
0xff: {  	s3 =	rddreg [dreg:$0x2];
	[bflag:$0x3] =	sbarrier.arrive $0xFFFF;
	s2 =	simm.s32 @!p0 $0x1C07  }
0x100: {  	[timem:s3], [sflag:s2] =	dma.local @!p0 [hbm:s0], s1  }
0x101: {  	s0 =	simm.s32 @!p0 $0x7  }
0x102: {  	_ =	swait.ge @!p0 [sflag:s0], s1  }
0x103: {  	s1 =	ssub.s32 @!p0 $0x0, s1;
	[sflag:s0] =	ssyncset.done @!p0 $0x0  }
0x104: {  	[sflag:s0] =	ssyncadd.s32 @!p0 s1  }
0x105: {  	[bflag:$0x3] =	sbarrier.arrive $0xFFFF  }
0x106: {  	_ =	shalt  }

// kernel: sparse-core-data-format-call.cloned.1.call-start
scs
called_computation_lowered:
.L_overlay_start_0:
0x0: {  	s2 =	sld [smem:$0x3FD9]  }
0x1: {  	s3 =	sld [smem:$0x3FFE];
	_ =	sdelay $0x1  }
0x2: {  	s1 =	srdreg.scid  }
0x3: {  	s0 =	sand.u32 $0x1, s1  }
0x4: {  	s18 =	sshll.u32 s0, $0xA;
	s2 =	sadd.s32 s3, s2  }
0x5: {  	s2 =	sadd.s32 s2, s18  }
0x6: {  	[smem:$0x3FC6] =	sst s2  }
0x7: {  	_ = 	snop  }
0x8: {  	s2 =	sld [smem:$0x3FD0];
	(tm) =	ssettm $0x1  }
0x9: {  	s19 =	sld [smem:$0x3FFB];
	_ =	sdelay $0x3  }
0xa: {  	_ =	strace s19  }
0xb: {  	s3 =	sld [smem:$0x3FFC];
	_ =	sdelay $0x3  }
0xc: {  	_ =	strace s3  }
0xd: {  	s3 =	sld [smem:$0x3FFD];
	_ =	sdelay $0x3  }
0xe: {  	_ =	strace s3  }
0xf: {  	_ =	strace $0x8FFFFFFF  }
0x10: {  	s20 =	sld [smem:$0x3FDB];
	_ =	sdelay $0x1  }
0x11: {  	s4 =	simm.s32 $_scs_section_size  }
0x12: {  	s5 =	simm.s32 $_size__tile_overlayer_lowered;
	s6 =	simm.s32 $_tile_overlayer_lowered  }
0x13: {  	s23 =	simm.s32 $0x1BFF;
	s22 =	sshll.u32 s6, $0x1;
	s3 =	sadd.s32 s4, s20  }
0x14: {  	s7 =	simm.s32 $0x0;
	s21 =	sshll.u32 s5, $0x1;
	s5 =	sadd.s32 s22, s3  }
0x15: {  	[timem:s7], [sflag:s23] =	dma.local [hbm:s5], s21  }
0x16: {  	_ =	swait.ge [sflag:s23], s21  }
0x17: {  	s4 =	ssub.s32 $0x0, s21;
	[sflag:s23] =	ssyncset.done $0x0  }
0x18: {  	[sflag:s23] =	ssyncadd.s32 s4;
	_ =	sdelay $0x1  }
0x19: {  	s24 =	simm.s32 $0x1B8B  }
0x1a: {  	_ =	swait.ge [sflag:s24], $0x1  }
0x1b: {  	[sflag:s24] =	ssyncset.done $0x0  }
0x1c: {  	s26 =	simm.s32 $0x1B8E;
	s25 =	sld [smem:$0x3FFE];
	[sflag:s24] =	ssyncadd.s32 $0xFFFFFFFF  }
0x1d: {  	s27 =	simm.s32 $execute0_lowered;
	[smem:$0x3FD2] =	sst s26  }
0x1e: {  	s5 =	sshll.u32 s27, $0x1;
	_ =	strace $0x80000049;
	[dreg:$0x1] =	wrdreg $0xFFFFFFFF  }
0x1f: {  	s28 =	simm.s32 $_size_execute0_lowered;
	s3 =	sadd.s32 s3, s5;
	[dreg:$0x0] =	wrdreg $0x0  }
0x20: {  	s5 =	sshll.u32 s28, $0x1;
	[dreg:$0x2] =	wrdreg s3  }
0x21: {  	[dreg:$0x3] =	wrdreg s5  }
0x22: {  	[dreg:$0x4] =	wrdreg $0xC0  }
0x23: {  	_ =	task [dreg:s7], $0x5FFFF  }
0x24: {  	[dreg:$0x1] =	wrdreg $0xFFFFFFFF  }
0x25: {  	[dreg:$0x0] =	wrdreg $0x60  }
0x26: {  	[dreg:$0x2] =	wrdreg s25  }
0x27: {  	[dreg:$0x3] =	wrdreg s2  }
0x28: {  	[dreg:$0x4] =	wrdreg $0x9  }
0x29: {  	_ =	task.clear_ibuf [dreg:s7], $0x5FFFF;
	_ =	strace $0x90000049  }
0x2a: {  	s29 =	simm.s32 $0x9;
	_ =	strace $0x8000004B  }
0x2b: {  	_ =	swait.ge [sflag:s29], $0x1  }
0x2c: {  	[sflag:s29] =	ssyncadd.s32 $0xFFFFFFFF  }
0x2d: {  	_ =	strace $0x9000004B  }
0x2e: {  	_ =	sfence  }
0x2f: {  	s30 =	sld [smem:$0x0];
	_ =	sdelay $0x2  }
0x30: {  	s31 =	sshll.u32 s1, $0xD;
	s1 =	sshrl.u32 s1, $0x2  }
0x31: {  	s3 =	sand.u32 $0x4000, s31;
	s1 =	sadd.s32 s1, s30  }
0x32: {  	s0 =	sor.u32 s3, s0;
	s1 =	sshll.u32 s1, $0x11  }
0x33: {  	s0 =	sor.u32 s1, s0  }
0x34: {  	s0 =	sadd.s32 $0x8F2B, s0  }
0x35: {  	[sflag:s0] =	ssyncadd.remote.s32 $0x1  }
0x36: {  	_ =	sfence.sel $0xFFFF  }
0x37: {  	[dreg:$0x0] =	wrdreg $0xFFFFFFFF;
	(pc) =	sbr.abs _section_cstart, $3  }
0x38: {  	[dreg:$0x1] =	wrdreg $0xFFFFFFFF  }
0x39: {  	_ =	task.clear_ibuf [dreg:s7], $0x2FFFF;
	_ =	strace $0x9FFFFFFF  }
0x3a: {  	(tm) =	ssettm $0x7FFFFFFF  }
0x3b: {  	_ =	shalt  }
tec
execute0_lowered:
.L_overlay_start_1:
0x0: {  	(tag) =	ssettag $0x1  }
0x1: {  	s0 =	srdreg.scid  }
0x2: {  	s1 =	sshll.u32 s0, $0x4  }
0x3: {  	s0 =	stileid.u32;
	s1 =	sand.u32 $0x10, s1  }
0x4: {  	s1 =	sor.u32 s0, s1  }
0x5: {  	s6 =	rddreg [dreg:$0x0];
	s4 =	simm.s32 $0x1;
	s2 =	sshll.u32 s1, $0x7  }
0x6: {  	s7 =	simm.s32 $0x2;
	s12 =	simm.s32 $0x0;
	s1 =	ssub.s32 $0x4000, s2  }
0x7: {  	s8 =	simm.s32 $0x20000;
	s13 =	simm.s32 $0x0;
	s3 =	sand.u32 $0xF80, s1  }
0x8: {  	s9 =	simm.s32 $0x0;
	s5 =	sshrl.u32 s1, $0xC;
	p0 =	sne.s32 s3, $0x0  }
.Ltmp0:
0x9: {  	s1 =	rddreg [dreg:$0x2];
	s4 =	simm.s32 @!p0 $0x0;
	(pc) =	sbr.rel .LBB1_1-.Ltmp0, $4  }
0xa: {  	s11 =	simm.s32 $0x0;
	s3 =	rddreg [dreg:$0x1];
	s5 =	sadd.s32 s4, s5  }
0xb: {  	_ =	strace $0x8000004A;
	s4 =	simm.s32 $0x1;
	s5 =	smul.u32 $0xC8, s5  }
0xc: {  	s6 =	sadd.s32 $0x800, s6;
	s10 =	smov.u32 s2;
	[sflag:s4] =	ssyncpa.u1 $0x0  }
0xd: {  	p0 =	por $0x0, $0x0;
	[sflag:s7] =	ssyncpa.u1 $0x0;
	s7 =	sor.u32 $0x1, s5  }
.LBB1_4:
0xe: {  	s16 =	sshll.u32 s13, $0x3;
	s17 =	sand.u32 $0x78, s13  }
0xf: {  	s30 =	sand.u32 $0x1F800, s13;
	s12 =	sshll.u32 s12, $0x11;
	s16 =	sand.u32 $0x3C00, s16  }
0x10: {  	[tilespmem:s15+$0x810 ss:$0x81] =	vst.msk $0xffff, v2;
	s31 =	sand.u32 $0x7, s13;
	s16 =	sor.u32 s17, s16;
	s17 =	sadd.s32 s3, s30  }
0x11: {  	[tilespmem:s15+$0x1020 ss:$0x81] =	vst.msk $0xffff, v0;
	s13 =	sshll.u32 s31, $0x12;
	s12 =	sadd.s32 s12, s17;
	s16 =	sshrl.u32 s16, $0x3  }
0x12: {  	[tilespmem:s15+$0x0 ss:$0x81] =	vst.msk $0xffff, v1;
	s13 =	sor.u32 $0x400, s13;
	s12 =	sadd.s32 s16, s12  }
0x13: {  	[hbm4b:s12+s13] =	stream.strided.scatter [tilespmem:s14], [sflag:$0x2], $0x2000, s8, s13, $0x20;
	[tilespmem:$0x8080] =	vst v63  }
.LBB1_5:
0x14: {  	s14 =	sadd.s32 $0x1, s9  }
0x15: {  	s12 =	sadd.s32 $0x1000, s10;
	s16 =	smov.u32 s10;
	p2 =	sgt.s32 s14, $0xC7  }
0x16: {  	s16 =	smov.u32 @p2 s12  }
0x17: {  	s14 =	simm.s32 @p2 $0x0;
	p2 =	sgt.s32 s16, $0x3FFF  }
0x18: {  	s16 =	smov.u32 @p2 s2;
	p2 =	sne.s32 s11, s7  }
.Ltmp1:
0x19: {  	p1 =	slt.u32 s11, $0x2;
	(pc) =	sbr.rel @!p2 .LBB1_6-.Ltmp1, $4  }
0x1a: {  	s15 =	simm.s32 @!p1 $0x2  }
0x1b: {  	s13 =	smov.u32 s10;
	p0 =	por !p0, !p0;
	_ =	swait.ge @!p1 [sflag:s15], $0x2000  }
0x1c: {  	s12 =	smov.u32 s9;
	[sflag:s15] =	ssyncset.done @!p1 $0x0;
	s9 =	smov.u32 s14  }
0x1d: {  	s11 =	sadd.s32 $0x1, s11;
	[sflag:s15] =	ssyncadd.s32 @!p1 $0xFFFFE000;
	s10 =	smov.u32 s16  }
.LBB1_1:
0x1e: {  	p1 =	sge.u32 s11, s5  }
0x1f: {  	s14 =	sand.u32 @!p1 $0x1FFFFFF, s9  }
0x20: {  	s15 =	smulhi.u32 @!p1 $0x147AE15, s14;
	_ =	sdelay $0x1  }
0x21: {  	s15 =	smul.u32 @!p1 $0xC8, s15  }
0x22: {  	s16 =	sxor.u32 @!p1 $0xFFFFFFFF, s11;
	s17 =	smul.u32 @!p1 $0xC80, s10  }
0x23: {  	s31 =	sadd.s32 $0xFFFFFFFF, s11;
	s16 =	sshll.u32 @!p1 s16, $0xD;
	s14 =	ssub.s32 @!p1 s14, s15  }
0x24: {  	s15 =	sand.u32 @!p1 $0x2000, s16;
	s16 =	sadd.s32 @!p1 s6, s17;
	s14 =	sshll.u32 @!p1 s14, $0x4  }
0x25: {  	s17 =	simm.s32 @!p1 $0x6400;
	s14 =	sadd.s32 @!p1 s14, s16;
	s16 =	simm.s32 @!p1 $0x40  }
0x26: {  	[tilespmem:s15], [sflag:$0x1] =	stream.strided.gather @!p1 [hbm4b:s14+s16], $0x2000, s17, s16, $0x38;
	[tilespmem:$0x8080] =	vst v63  }
0x27: {  	p1 =	sge.u32 s31, s5  }
.Ltmp2:
0x28: {  	_ = 	snop;
	(pc) =	sbr.rel @p1 .LBB1_5-.Ltmp2, $1  }
0x29: {  	_ =	sdelay $0x3  }
0x2a: {  	s14 =	simm.s32 $0x1  }
0x2b: {  	_ =	swait.ge [sflag:s4], $0x2000;
	s14 =	simm.s32 @!p0 $0x0  }
0x2c: {  	[sflag:s4] =	ssyncset.done $0x0;
	s15 =	sshll.u32 s14, $0xD  }
0x2d: {  	[sflag:s4] =	ssyncadd.s32 $0xFFFFE000;
	s18 =	sor.u32 $0x20, s15  }
0x2e: {  	s14 =	smul.u32 $0x8100, s14;
	v3 =	vld [tilespmem:s18+$0x10]  }
0x2f: {  	s30 =	sand.u32 $0x1, s11;
	v2 =	vld [tilespmem:s18+$0xFFFFFFF0]  }
0x30: {  	s15 =	smul.u32 $0x8100, s30;
	s14 =	sshrl.u32 s14, $0x2;
	v0 =	vld [tilespmem:s18+$0x0]  }
0x31: {  	v1 =	vld [tilespmem:s18+$0xFFFFFFE0];
	s16 =	sor.u32 $0x4000, s14  }
0x32: {  	s31 =	sshrl.u32 s15, $0x2;
	s15 =	sadd.s32 $0x0, s16  }
0x33: {  	s17 =	simm.s32 $0x4;
	s18 =	sadd.s32 $0x40, s18;
	s14 =	sor.u32 $0x4000, s31;
	[tilespmem:s15+$0x1830 ss:$0x81] =	vst.msk $0xffff, v3  }
.LBB1_3:
0x34: {  	v3 =	vld [tilespmem:s18+$0x10];
	p1 =	sne.s32 s17, $0x1FC;
	[tilespmem:s15+$0x810 ss:$0x81] =	vst.msk $0xffff, v2;
	s19 =	smov.u32 s17;
	s17 =	sadd.s32 $0x4, s17  }
.Ltmp3:
0x35: {  	v2 =	vld [tilespmem:s18+$0xFFFFFFF0];
	[tilespmem:s15+$0x1020 ss:$0x81] =	vst.msk $0xffff, v0;
	(pc) =	sbr.rel @p1 .LBB1_3-.Ltmp3, $4  }
0x36: {  	v0 =	vld [tilespmem:s18+$0x0];
	[tilespmem:s15+$0x0 ss:$0x81] =	vst.msk $0xffff, v1  }
0x37: {  	s15 =	sshra.s32 s19, $0x2;
	v1 =	vld [tilespmem:s18+$0xFFFFFFE0]  }
0x38: {  	s15 =	sadd.s32 s15, s16  }
0x39: {  	s18 =	sadd.s32 $0x40, s18;
	[tilespmem:s15+$0x1830 ss:$0x81] =	vst.msk $0xffff, v3  }
.Ltmp4:
0x3a: {  	_ = 	snop;
	(pc) =	sbr.rel .LBB1_4-.Ltmp4, $1  }
0x3b: {  	_ =	sdelay $0x3  }
.LBB1_6:
0x3c: {  	_ =	sfence.sel $0x180000  }
0x3d: {  	s2 =	simm.s32 $0x1;
	[bflag:$0x0] =	sbarrier.arrive $0xFFFF  }
0x3e: {  	s31 =	simm.s32 $0x2;
	[sflag:s2] =	ssyncpa.u1 $0x1  }
0x3f: {  	[sflag:s31] =	ssyncpa.u1 $0x1  }
0x40: {  	p0 =	sne.s32 s0, $0x0;
	_ =	strace $0x9000004A  }
0x41: {  	s0 =	sadd.s32 @!p0 $0x100000, s1;
	[bflag:$0x2] =	sbarrier.arrive $0xFFFF  }
0x42: {  	[sflag:s0] =	ssyncadd.tile.s32 @!p0 $0x1;
	_ =	shalt  }
.Lfunc_end1:
_tile_overlayer_lowered:
.L_overlay_start_2:
0x43: {  	(tag) =	ssettag $0x2  }
0x44: {  	s0 =	rddreg [dreg:$0x0];
	s2 =	stileid.u32  }
0x45: {  	s1 =	rddreg [dreg:$0x1];
	p0 =	sne.s32 s2, $0x0  }
0x46: {  	s3 =	rddreg [dreg:$0x2];
	[bflag:$0x3] =	sbarrier.arrive $0xFFFF;
	s2 =	simm.s32 @!p0 $0x1C01  }
0x47: {  	[timem:s3], [sflag:s2] =	dma.local @!p0 [hbm:s0], s1  }
0x48: {  	s0 =	simm.s32 @!p0 $0x1  }
0x49: {  	_ =	swait.ge @!p0 [sflag:s0], s1  }
0x4a: {  	s1 =	ssub.s32 @!p0 $0x0, s1;
	[sflag:s0] =	ssyncset.done @!p0 $0x0  }
0x4b: {  	[sflag:s0] =	ssyncadd.s32 @!p0 s1  }
0x4c: {  	[bflag:$0x3] =	sbarrier.arrive $0xFFFF  }
0x4d: {  	_ =	shalt  }

</sc_bundles>
